<compile_context>
chip_gen: v7x
topology: tpu7x:2x2x1
jax: 0.10.2.dev20260603
libtpu: 0.0.44.dev20260713+nightly
codegen_flags: <defaults>
</compile_context>

<pallas_src>
import jax
import jax.numpy as jnp
from jax.experimental import pallas as pl
from jax.experimental.pallas import tpu as pltpu

_K = 32
_B, _T, _D, _V, _N = 64, 4, 1024, 32000, 100000
_Q = _B * _T
_C = 1000
_NCHUNK = _N // _C


def _topk_body(qn_ref, q_ref, keys_ref, kn_ref, bd_ref, bi_ref, cd_ref):
    step = pl.program_id(0)

    q = q_ref[...]
    keys = keys_ref[...]
    kn = kn_ref[0]
    qn = qn_ref[...]
    dot = jax.lax.dot_general(q, keys, (((1,), (1,)), ((), ())),
                              preferred_element_type=jnp.float32)
    dists = qn - 2.0 * dot + kn
    base = step * _C
    colf = jax.lax.broadcasted_iota(jnp.int32, (_Q, _C), 1).astype(jnp.float32)

    @pl.when(step == 0)
    def _first():
        cd_ref[...] = dists
        nd, ni = [], []
        for _ in range(_K):
            cd = cd_ref[...]
            m = jnp.min(cd, axis=1, keepdims=True)
            posf = jnp.min(jnp.where(cd == m, colf, 1e9),
                           axis=1, keepdims=True)
            nd.append(m)
            ni.append(base + posf.astype(jnp.int32))
            cd_ref[...] = jnp.where(colf == posf, jnp.inf, cd)
        bd_ref[...] = jnp.concatenate(nd, axis=1)
        bi_ref[...] = jnp.concatenate(ni, axis=1)

    @pl.when(step > 0)
    def _rest():
        tau = bd_ref[:, _K - 1:_K]
        any_beats = jnp.any(dists < tau)
        kcol = jax.lax.broadcasted_iota(jnp.int32, (_Q, _K), 1)

        @pl.when(any_beats)
        def _merge():
            cd_ref[...] = dists

            def body(_):
                cd = cd_ref[...]
                bd = bd_ref[...]
                bi = bi_ref[...]
                m = jnp.min(cd, axis=1, keepdims=True)
                posf = jnp.min(jnp.where(cd == m, colf, 1e9),
                               axis=1, keepdims=True)
                vi = base + posf.astype(jnp.int32)
                cd_ref[...] = jnp.where(colf == posf, jnp.inf, cd)
                ins = m < bd[:, _K - 1:_K]
                posb = jnp.sum((bd <= m).astype(jnp.int32),
                               axis=1, keepdims=True)
                shd = jnp.roll(bd, 1, axis=1)
                shi = jnp.roll(bi, 1, axis=1)
                nbd = jnp.where(kcol < posb, bd,
                                jnp.where(kcol == posb, m, shd))
                nbi = jnp.where(kcol < posb, bi,
                                jnp.where(kcol == posb, vi, shi))
                bd_ref[...] = jnp.where(ins, nbd, bd)
                bi_ref[...] = jnp.where(ins, nbi, bi)
                return jnp.any(ins)

            jax.lax.while_loop(lambda go: go, body, any_beats)


def _store_topk(qn, q, keys, kn, interpret=False):
    kn3 = kn.reshape(_NCHUNK, 1, _C)
    bd, bi = pl.pallas_call(
        _topk_body,
        grid=(_NCHUNK,),
        in_specs=[
            pl.BlockSpec((_Q, 1), lambda i: (0, 0)),
            pl.BlockSpec((_Q, _D), lambda i: (0, 0)),
            pl.BlockSpec((_C, _D), lambda i: (i, 0)),
            pl.BlockSpec((1, 1, _C), lambda i: (i, 0, 0)),
        ],
        out_specs=[
            pl.BlockSpec((_Q, _K), lambda i: (0, 0)),
            pl.BlockSpec((_Q, _K), lambda i: (0, 0)),
        ],
        out_shape=[
            jax.ShapeDtypeStruct((_Q, _K), jnp.float32),
            jax.ShapeDtypeStruct((_Q, _K), jnp.int32),
        ],
        compiler_params=pltpu.CompilerParams(
            dimension_semantics=("arbitrary",)),
        scratch_shapes=[pltpu.VMEM((_Q, _C), jnp.float32)],
        interpret=interpret,
    )(qn, q, keys, kn3)
    return bd, bi


def kernel(decoded_last_hidden, decoded_probs, target,
           optor_keys, optor_vals, const_keys, const_vals):
    noise = jax.random.normal(jax.random.key(1), decoded_last_hidden.shape,
                              dtype=decoded_last_hidden.dtype)
    h = decoded_last_hidden + noise * 5.0
    q = h.reshape(-1, h.shape[-1])
    qn = jnp.sum(q * q, axis=-1, keepdims=True)
    okn = jnp.sum(optor_keys * optor_keys, axis=-1)
    ckn = jnp.sum(const_keys * const_keys, axis=-1)

    od, oi = _store_topk(qn, q, optor_keys, okn)
    cd, ci = _store_topk(qn, q, const_keys, ckn)

    optor_v = jnp.take(optor_vals, oi, axis=0).reshape(_B, _T, _K)
    const_v = jnp.take(const_vals, ci, axis=0).reshape(_B, _T, _K)
    optor_d = od.reshape(_B, _T, _K)
    const_d = cd.reshape(_B, _T, _K)
    return (decoded_probs, h, target, optor_v, optor_d, const_v, const_d)

# --- scband reference (transcript-rebuilt; emitter-appended) ---
"""Pipeline reference for scband-sr-knn-model-23519240912937 (READ-ONLY COPY).

The authoritative reference and input builder live on the scoring server;
editing this copy changes nothing except your own understanding.
"""

import jax, jax.numpy as jnp
import numpy as np

OPTOR_MAX_K = 32
CONST_MAX_K = 32
B, T, D, V, N = 64, 4, 1024, 32000, 100000


def _knn_retrieve(q, keys, vals, k):
    # faiss IndexFlatL2-style exact search: squared L2 distances, k smallest
    qn = jnp.sum(q * q, axis=-1, keepdims=True)
    kn = jnp.sum(keys * keys, axis=-1)
    dists = qn - 2.0 * (q @ keys.T) + kn[None, :]
    _, idx = jax.lax.top_k(-dists, k)
    ret_vals = jnp.take(vals, idx, axis=0)
    ret_dists = jnp.take_along_axis(dists, idx, axis=1)
    return ret_vals, ret_dists


def setup_inputs(seed: int = 0):
    key = jax.random.key(seed)
    ks = jax.random.split(key, 7)
    return {
        "decoded_last_hidden": jax.random.normal(ks[0], (B, T, D), dtype=jnp.float32),
        "decoded_probs": jax.random.normal(ks[1], (B, T, V), dtype=jnp.float32),
        "target": jax.random.randint(ks[2], (B, T), 0, V),
        "optor_keys": jax.random.normal(ks[3], (N, D), dtype=jnp.float32),
        "optor_vals": jax.random.randint(ks[4], (N,), 0, V),
        "const_keys": jax.random.normal(ks[5], (N, D), dtype=jnp.float32),
        "const_vals": jax.random.randint(ks[6], (N,), 0, V),
    }


def reference(decoded_last_hidden, decoded_probs, target, optor_keys, optor_vals, const_keys, const_vals):
    # forward in 'inference' mode: perturb hidden, retrieve from both datastores
    noise = jax.random.normal(jax.random.key(1), decoded_last_hidden.shape, dtype=decoded_last_hidden.dtype)
    h = decoded_last_hidden + noise * 5.0
    q = h.reshape(-1, h.shape[-1])
    optor_v, optor_d = _knn_retrieve(q, optor_keys, optor_vals, OPTOR_MAX_K)
    const_v, const_d = _knn_retrieve(q, const_keys, const_vals, CONST_MAX_K)
    optor_v = optor_v.reshape(B, T, OPTOR_MAX_K)
    optor_d = optor_d.reshape(B, T, OPTOR_MAX_K)
    const_v = const_v.reshape(B, T, CONST_MAX_K)
    const_d = const_d.reshape(B, T, CONST_MAX_K)
    # returns (decoded_probs, extra); extra carries last_hidden/target, plus retriever results
    return (decoded_probs, h, target, optor_v, optor_d, const_v, const_d)

if __name__ == "__main__":
    import jax
    _d = setup_inputs()
    print(jax.jit(kernel)(*tuple(_d.values())))

</pallas_src>

<mosaic_0001>
module attributes {stable_mosaic.version = 14 : i64} {
  func.func @_topk_body(%arg0: i32, %arg1: memref<256x1xf32, #tpu.memory_space<vmem>>, %arg2: memref<256x1024xf32, #tpu.memory_space<vmem>>, %arg3: memref<1000x1024xf32, #tpu.memory_space<vmem>>, %arg4: memref<1x1x1000xf32, #tpu.memory_space<vmem>>, %arg5: memref<256x32xf32, #tpu.memory_space<vmem>>, %arg6: memref<256x32xi32, #tpu.memory_space<vmem>>, %arg7: memref<256x1000xf32, #tpu.memory_space<vmem>>) attributes {dimension_semantics = [#tpu.dimension_semantics<arbitrary>], iteration_bounds = array<i64: 100>, scalar_prefetch = 0 : i64, scratch_operands = 1 : i64, tpu.core_type = #tpu.core_type<tc>, window_params = [{pipeline_mode = #tpu.pipeline_mode<synchronous>, transform_indices = @transform_0, window_bounds = array<i64: 256, 1>}, {pipeline_mode = #tpu.pipeline_mode<synchronous>, transform_indices = @transform_1, window_bounds = array<i64: 256, 1024>}, {transform_indices = @transform_2, window_bounds = array<i64: 1000, 1024>}, {transform_indices = @transform_3, window_bounds = array<i64: 1, 1, 1000>}, {pipeline_mode = #tpu.pipeline_mode<synchronous>, transform_indices = @transform_4, window_bounds = array<i64: 256, 32>}, {pipeline_mode = #tpu.pipeline_mode<synchronous>, transform_indices = @transform_5, window_bounds = array<i64: 256, 32>}]} {
    %get3A = arith.constant 0 : index
    %get3A_0 = arith.constant 0 : index
    %get3A_1 = vector.load %arg2[%get3A, %get3A_0] : memref<256x1024xf32, #tpu.memory_space<vmem>>, vector<256x1024xf32>
    %get3A_2 = arith.constant 0 : index
    %get3A_3 = arith.constant 0 : index
    %get3A_4 = vector.load %arg3[%get3A_2, %get3A_3] : memref<1000x1024xf32, #tpu.memory_space<vmem>>, vector<1000x1024xf32>
    %get3A_5 = arith.constant 0 : index
    %get3A_6 = arith.constant 0 : index
    %get3A_7 = arith.constant 0 : index
    %get3A_8 = vector.load %arg4[%get3A_5, %get3A_6, %get3A_7] : memref<1x1x1000xf32, #tpu.memory_space<vmem>>, vector<1x1x1000xf32>
    %get3A_9 = vector.shape_cast %get3A_8 : vector<1x1x1000xf32> to vector<1x1000xf32>
    %get3A_10 = arith.constant 0 : index
    %get3A_11 = arith.constant 0 : index
    %get3A_12 = vector.load %arg1[%get3A_10, %get3A_11] : memref<256x1xf32, #tpu.memory_space<vmem>>, vector<256x1xf32>
    %dot_general3A = arith.constant dense<0.000000e+00> : vector<256x1000xf32>
    %dot_general3A_13 = tpu.matmul %get3A_1, %get3A_4, %dot_general3A {dimension_numbers = #tpu.dot_dimension_numbers<[1], [1], [0], [0], [0, 0, 1, 0], [], []>, transpose_lhs_hint = false} : vector<256x1024xf32>, vector<1000x1024xf32>, vector<256x1000xf32> -> vector<256x1000xf32>
    %mul3A = arith.constant 2.000000e+00 : f32
    %mul3A_14 = vector.broadcast %mul3A : f32 to vector<256x1000xf32>
    %mul3A_15 = arith.mulf %mul3A_14, %dot_general3A_13 : vector<256x1000xf32>
    %sub3A = vector.broadcast %get3A_12 : vector<256x1xf32> to vector<256x1000xf32>
    %sub3A_16 = arith.subf %sub3A, %mul3A_15 : vector<256x1000xf32>
    %add3A = vector.broadcast %get3A_9 : vector<1x1000xf32> to vector<256x1000xf32>
    %add3A_17 = arith.addf %sub3A_16, %add3A : vector<256x1000xf32>
    %mul3A_18 = arith.constant 1000 : i32
    %mul3A_19 = arith.muli %arg0, %mul3A_18 : i32
    %iota3A = tpu.iota {dimensions = array<i32: 1>} : vector<256x1000xi32>
    %convert_element_type3A = arith.sitofp %iota3A : vector<256x1000xi32> to vector<256x1000xf32>
    %eq3A = arith.constant 0 : i32
    %eq3A_20 = arith.cmpi eq, %arg0, %eq3A : i32
    %convert_element_type3A_21 = arith.extui %eq3A_20 : i1 to i32
    %cond3A = arith.constant 0 : i32
    %cond3A_22 = arith.cmpi ne, %convert_element_type3A_21, %cond3A : i32
    scf.if %cond3A_22 {
      %swap3A = arith.constant 0 : index
      %swap3A_27 = arith.constant 0 : index
      %swap3A_28 = vector.load %arg7[%swap3A, %swap3A_27] : memref<256x1000xf32, #tpu.memory_space<vmem>>, vector<256x1000xf32>
      tpu.vector_store %arg7[%swap3A, %swap3A_27], %add3A_17 {strides = array<i32>} : memref<256x1000xf32, #tpu.memory_space<vmem>>, vector<256x1000xf32>,
      %get3A_29 = arith.constant 0 : index
      %get3A_30 = arith.constant 0 : index
      %get3A_31 = vector.load %arg7[%get3A_29, %get3A_30] : memref<256x1000xf32, #tpu.memory_space<vmem>>, vector<256x1000xf32>
      %reduce_min3A = arith.constant dense<0x7F800000> : vector<256xf32>
      %reduce_min3A_32 = vector.multi_reduction <minimumf>, %get3A_31, %reduce_min3A [1] : vector<256x1000xf32> to vector<256xf32>
      %broadcast_in_dim3A = vector.shape_cast %reduce_min3A_32 : vector<256xf32> to vector<256x1xf32>
      %eq3A_33 = vector.broadcast %broadcast_in_dim3A : vector<256x1xf32> to vector<256x1000xf32>
      %eq3A_34 = arith.cmpf oeq, %get3A_31, %eq3A_33 : vector<256x1000xf32>
      %jit3A = arith.constant 1.000000e+09 : f32
      %broadcast_in_dim3A_35 = vector.broadcast %jit3A : f32 to vector<256x1000xf32>
      %select_n3A = arith.select %eq3A_34, %convert_element_type3A, %broadcast_in_dim3A_35 : vector<256x1000xi1>, vector<256x1000xf32>
      %reduce_min3A_36 = arith.constant dense<0x7F800000> : vector<256xf32>
      %reduce_min3A_37 = vector.multi_reduction <minimumf>, %select_n3A, %reduce_min3A_36 [1] : vector<256x1000xf32> to vector<256xf32>
      %broadcast_in_dim3A_38 = vector.shape_cast %reduce_min3A_37 : vector<256xf32> to vector<256x1xf32>
      %convert_element_type3A_39 = arith.fptosi %broadcast_in_dim3A_38 : vector<256x1xf32> to vector<256x1xi32>
      %add3A_40 = vector.broadcast %mul3A_19 : i32 to vector<256x1xi32>
      %add3A_41 = arith.addi %add3A_40, %convert_element_type3A_39 : vector<256x1xi32>
      %eq3A_42 = vector.broadcast %broadcast_in_dim3A_38 : vector<256x1xf32> to vector<256x1000xf32>
      %eq3A_43 = arith.cmpf oeq, %convert_element_type3A, %eq3A_42 : vector<256x1000xf32>
      %jit3A_44 = arith.constant 0x7F800000 : f32
      %broadcast_in_dim3A_45 = vector.broadcast %jit3A_44 : f32 to vector<256x1000xf32>
      %select_n3A_46 = arith.select %eq3A_43, %broadcast_in_dim3A_45, %get3A_31 : vector<256x1000xi1>, vector<256x1000xf32>
      %swap3A_47 = arith.constant 0 : index
      %swap3A_48 = arith.constant 0 : index
      %swap3A_49 = vector.load %arg7[%swap3A_47, %swap3A_48] : memref<256x1000xf32, #tpu.memory_space<vmem>>, vector<256x1000xf32>
      tpu.vector_store %arg7[%swap3A_47, %swap3A_48], %select_n3A_46 {strides = array<i32>} : memref<256x1000xf32, #tpu.memory_space<vmem>>, vector<256x1000xf32>,
      %get3A_50 = arith.constant 0 : index
      %get3A_51 = arith.constant 0 : index
      %get3A_52 = vector.load %arg7[%get3A_50, %get3A_51] : memref<256x1000xf32, #tpu.memory_space<vmem>>, vector<256x1000xf32>
      %reduce_min3A_53 = arith.constant dense<0x7F800000> : vector<256xf32>
      %reduce_min3A_54 = vector.multi_reduction <minimumf>, %get3A_52, %reduce_min3A_53 [1] : vector<256x1000xf32> to vector<256xf32>
      %broadcast_in_dim3A_55 = vector.shape_cast %reduce_min3A_54 : vector<256xf32> to vector<256x1xf32>
      %eq3A_56 = vector.broadcast %broadcast_in_dim3A_55 : vector<256x1xf32> to vector<256x1000xf32>
      %eq3A_57 = arith.cmpf oeq, %get3A_52, %eq3A_56 : vector<256x1000xf32>
      %jit3A_58 = arith.constant 1.000000e+09 : f32
      %broadcast_in_dim3A_59 = vector.broadcast %jit3A_58 : f32 to vector<256x1000xf32>
      %select_n3A_60 = arith.select %eq3A_57, %convert_element_type3A, %broadcast_in_dim3A_59 : vector<256x1000xi1>, vector<256x1000xf32>
      %reduce_min3A_61 = arith.constant dense<0x7F800000> : vector<256xf32>
      %reduce_min3A_62 = vector.multi_reduction <minimumf>, %select_n3A_60, %reduce_min3A_61 [1] : vector<256x1000xf32> to vector<256xf32>
      %broadcast_in_dim3A_63 = vector.shape_cast %reduce_min3A_62 : vector<256xf32> to vector<256x1xf32>
      %convert_element_type3A_64 = arith.fptosi %broadcast_in_dim3A_63 : vector<256x1xf32> to vector<256x1xi32>
      %add3A_65 = vector.broadcast %mul3A_19 : i32 to vector<256x1xi32>
      %add3A_66 = arith.addi %add3A_65, %convert_element_type3A_64 : vector<256x1xi32>
      %eq3A_67 = vector.broadcast %broadcast_in_dim3A_63 : vector<256x1xf32> to vector<256x1000xf32>
      %eq3A_68 = arith.cmpf oeq, %convert_element_type3A, %eq3A_67 : vector<256x1000xf32>
      %jit3A_69 = arith.constant 0x7F800000 : f32
      %broadcast_in_dim3A_70 = vector.broadcast %jit3A_69 : f32 to vector<256x1000xf32>
      %select_n3A_71 = arith.select %eq3A_68, %broadcast_in_dim3A_70, %get3A_52 : vector<256x1000xi1>, vector<256x1000xf32>
      %swap3A_72 = arith.constant 0 : index
      %swap3A_73 = arith.constant 0 : index
      %swap3A_74 = vector.load %arg7[%swap3A_72, %swap3A_73] : memref<256x1000xf32, #tpu.memory_space<vmem>>, vector<256x1000xf32>
      tpu.vector_store %arg7[%swap3A_72, %swap3A_73], %select_n3A_71 {strides = array<i32>} : memref<256x1000xf32, #tpu.memory_space<vmem>>, vector<256x1000xf32>,
      %get3A_75 = arith.constant 0 : index
      %get3A_76 = arith.constant 0 : index
      %get3A_77 = vector.load %arg7[%get3A_75, %get3A_76] : memref<256x1000xf32, #tpu.memory_space<vmem>>, vector<256x1000xf32>
      %reduce_min3A_78 = arith.constant dense<0x7F800000> : vector<256xf32>
      %reduce_min3A_79 = vector.multi_reduction <minimumf>, %get3A_77, %reduce_min3A_78 [1] : vector<256x1000xf32> to vector<256xf32>
      %broadcast_in_dim3A_80 = vector.shape_cast %reduce_min3A_79 : vector<256xf32> to vector<256x1xf32>
      %eq3A_81 = vector.broadcast %broadcast_in_dim3A_80 : vector<256x1xf32> to vector<256x1000xf32>
      %eq3A_82 = arith.cmpf oeq, %get3A_77, %eq3A_81 : vector<256x1000xf32>
      %jit3A_83 = arith.constant 1.000000e+09 : f32
      %broadcast_in_dim3A_84 = vector.broadcast %jit3A_83 : f32 to vector<256x1000xf32>
      %select_n3A_85 = arith.select %eq3A_82, %convert_element_type3A, %broadcast_in_dim3A_84 : vector<256x1000xi1>, vector<256x1000xf32>
      %reduce_min3A_86 = arith.constant dense<0x7F800000> : vector<256xf32>
      %reduce_min3A_87 = vector.multi_reduction <minimumf>, %select_n3A_85, %reduce_min3A_86 [1] : vector<256x1000xf32> to vector<256xf32>
      %broadcast_in_dim3A_88 = vector.shape_cast %reduce_min3A_87 : vector<256xf32> to vector<256x1xf32>
      %convert_element_type3A_89 = arith.fptosi %broadcast_in_dim3A_88 : vector<256x1xf32> to vector<256x1xi32>
      %add3A_90 = vector.broadcast %mul3A_19 : i32 to vector<256x1xi32>
      %add3A_91 = arith.addi %add3A_90, %convert_element_type3A_89 : vector<256x1xi32>
      %eq3A_92 = vector.broadcast %broadcast_in_dim3A_88 : vector<256x1xf32> to vector<256x1000xf32>
      %eq3A_93 = arith.cmpf oeq, %convert_element_type3A, %eq3A_92 : vector<256x1000xf32>
      %jit3A_94 = arith.constant 0x7F800000 : f32
      %broadcast_in_dim3A_95 = vector.broadcast %jit3A_94 : f32 to vector<256x1000xf32>
      %select_n3A_96 = arith.select %eq3A_93, %broadcast_in_dim3A_95, %get3A_77 : vector<256x1000xi1>, vector<256x1000xf32>
      %swap3A_97 = arith.constant 0 : index
      %swap3A_98 = arith.constant 0 : index
      %swap3A_99 = vector.load %arg7[%swap3A_97, %swap3A_98] : memref<256x1000xf32, #tpu.memory_space<vmem>>, vector<256x1000xf32>
      tpu.vector_store %arg7[%swap3A_97, %swap3A_98], %select_n3A_96 {strides = array<i32>} : memref<256x1000xf32, #tpu.memory_space<vmem>>, vector<256x1000xf32>,
      %get3A_100 = arith.constant 0 : index
      %get3A_101 = arith.constant 0 : index
      %get3A_102 = vector.load %arg7[%get3A_100, %get3A_101] : memref<256x1000xf32, #tpu.memory_space<vmem>>, vector<256x1000xf32>
      %reduce_min3A_103 = arith.constant dense<0x7F800000> : vector<256xf32>
      %reduce_min3A_104 = vector.multi_reduction <minimumf>, %get3A_102, %reduce_min3A_103 [1] : vector<256x1000xf32> to vector<256xf32>
      %broadcast_in_dim3A_105 = vector.shape_cast %reduce_min3A_104 : vector<256xf32> to vector<256x1xf32>
      %eq3A_106 = vector.broadcast %broadcast_in_dim3A_105 : vector<256x1xf32> to vector<256x1000xf32>
      %eq3A_107 = arith.cmpf oeq, %get3A_102, %eq3A_106 : vector<256x1000xf32>
      %jit3A_108 = arith.constant 1.000000e+09 : f32
      %broadcast_in_dim3A_109 = vector.broadcast %jit3A_108 : f32 to vector<256x1000xf32>
      %select_n3A_110 = arith.select %eq3A_107, %convert_element_type3A, %broadcast_in_dim3A_109 : vector<256x1000xi1>, vector<256x1000xf32>
      %reduce_min3A_111 = arith.constant dense<0x7F800000> : vector<256xf32>
      %reduce_min3A_112 = vector.multi_reduction <minimumf>, %select_n3A_110, %reduce_min3A_111 [1] : vector<256x1000xf32> to vector<256xf32>
      %broadcast_in_dim3A_113 = vector.shape_cast %reduce_min3A_112 : vector<256xf32> to vector<256x1xf32>
      %convert_element_type3A_114 = arith.fptosi %broadcast_in_dim3A_113 : vector<256x1xf32> to vector<256x1xi32>
      %add3A_115 = vector.broadcast %mul3A_19 : i32 to vector<256x1xi32>
      %add3A_116 = arith.addi %add3A_115, %convert_element_type3A_114 : vector<256x1xi32>
      %eq3A_117 = vector.broadcast %broadcast_in_dim3A_113 : vector<256x1xf32> to vector<256x1000xf32>
      %eq3A_118 = arith.cmpf oeq, %convert_element_type3A, %eq3A_117 : vector<256x1000xf32>
      %jit3A_119 = arith.constant 0x7F800000 : f32
      %broadcast_in_dim3A_120 = vector.broadcast %jit3A_119 : f32 to vector<256x1000xf32>
      %select_n3A_121 = arith.select %eq3A_118, %broadcast_in_dim3A_120, %get3A_102 : vector<256x1000xi1>, vector<256x1000xf32>
      %swap3A_122 = arith.constant 0 : index
      %swap3A_123 = arith.constant 0 : index
      %swap3A_124 = vector.load %arg7[%swap3A_122, %swap3A_123] : memref<256x1000xf32, #tpu.memory_space<vmem>>, vector<256x1000xf32>
      tpu.vector_store %arg7[%swap3A_122, %swap3A_123], %select_n3A_121 {strides = array<i32>} : memref<256x1000xf32, #tpu.memory_space<vmem>>, vector<256x1000xf32>,
      %get3A_125 = arith.constant 0 : index
      %get3A_126 = arith.constant 0 : index
      %get3A_127 = vector.load %arg7[%get3A_125, %get3A_126] : memref<256x1000xf32, #tpu.memory_space<vmem>>, vector<256x1000xf32>
      %reduce_min3A_128 = arith.constant dense<0x7F800000> : vector<256xf32>
      %reduce_min3A_129 = vector.multi_reduction <minimumf>, %get3A_127, %reduce_min3A_128 [1] : vector<256x1000xf32> to vector<256xf32>
      %broadcast_in_dim3A_130 = vector.shape_cast %reduce_min3A_129 : vector<256xf32> to vector<256x1xf32>
      %eq3A_131 = vector.broadcast %broadcast_in_dim3A_130 : vector<256x1xf32> to vector<256x1000xf32>
      %eq3A_132 = arith.cmpf oeq, %get3A_127, %eq3A_131 : vector<256x1000xf32>
      %jit3A_133 = arith.constant 1.000000e+09 : f32
      %broadcast_in_dim3A_134 = vector.broadcast %jit3A_133 : f32 to vector<256x1000xf32>
      %select_n3A_135 = arith.select %eq3A_132, %convert_element_type3A, %broadcast_in_dim3A_134 : vector<256x1000xi1>, vector<256x1000xf32>
      %reduce_min3A_136 = arith.constant dense<0x7F800000> : vector<256xf32>
      %reduce_min3A_137 = vector.multi_reduction <minimumf>, %select_n3A_135, %reduce_min3A_136 [1] : vector<256x1000xf32> to vector<256xf32>
      %broadcast_in_dim3A_138 = vector.shape_cast %reduce_min3A_137 : vector<256xf32> to vector<256x1xf32>
      %convert_element_type3A_139 = arith.fptosi %broadcast_in_dim3A_138 : vector<256x1xf32> to vector<256x1xi32>
      %add3A_140 = vector.broadcast %mul3A_19 : i32 to vector<256x1xi32>
      %add3A_141 = arith.addi %add3A_140, %convert_element_type3A_139 : vector<256x1xi32>
      %eq3A_142 = vector.broadcast %broadcast_in_dim3A_138 : vector<256x1xf32> to vector<256x1000xf32>
      %eq3A_143 = arith.cmpf oeq, %convert_element_type3A, %eq3A_142 : vector<256x1000xf32>
      %jit3A_144 = arith.constant 0x7F800000 : f32
      %broadcast_in_dim3A_145 = vector.broadcast %jit3A_144 : f32 to vector<256x1000xf32>
      %select_n3A_146 = arith.select %eq3A_143, %broadcast_in_dim3A_145, %get3A_127 : vector<256x1000xi1>, vector<256x1000xf32>
      %swap3A_147 = arith.constant 0 : index
      %swap3A_148 = arith.constant 0 : index
      %swap3A_149 = vector.load %arg7[%swap3A_147, %swap3A_148] : memref<256x1000xf32, #tpu.memory_space<vmem>>, vector<256x1000xf32>
      tpu.vector_store %arg7[%swap3A_147, %swap3A_148], %select_n3A_146 {strides = array<i32>} : memref<256x1000xf32, #tpu.memory_space<vmem>>, vector<256x1000xf32>,
      %get3A_150 = arith.constant 0 : index
      %get3A_151 = arith.constant 0 : index
      %get3A_152 = vector.load %arg7[%get3A_150, %get3A_151] : memref<256x1000xf32, #tpu.memory_space<vmem>>, vector<256x1000xf32>
      %reduce_min3A_153 = arith.constant dense<0x7F800000> : vector<256xf32>
      %reduce_min3A_154 = vector.multi_reduction <minimumf>, %get3A_152, %reduce_min3A_153 [1] : vector<256x1000xf32> to vector<256xf32>
      %broadcast_in_dim3A_155 = vector.shape_cast %reduce_min3A_154 : vector<256xf32> to vector<256x1xf32>
      %eq3A_156 = vector.broadcast %broadcast_in_dim3A_155 : vector<256x1xf32> to vector<256x1000xf32>
      %eq3A_157 = arith.cmpf oeq, %get3A_152, %eq3A_156 : vector<256x1000xf32>
      %jit3A_158 = arith.constant 1.000000e+09 : f32
      %broadcast_in_dim3A_159 = vector.broadcast %jit3A_158 : f32 to vector<256x1000xf32>
      %select_n3A_160 = arith.select %eq3A_157, %convert_element_type3A, %broadcast_in_dim3A_159 : vector<256x1000xi1>, vector<256x1000xf32>
      %reduce_min3A_161 = arith.constant dense<0x7F800000> : vector<256xf32>
      %reduce_min3A_162 = vector.multi_reduction <minimumf>, %select_n3A_160, %reduce_min3A_161 [1] : vector<256x1000xf32> to vector<256xf32>
      %broadcast_in_dim3A_163 = vector.shape_cast %reduce_min3A_162 : vector<256xf32> to vector<256x1xf32>
      %convert_element_type3A_164 = arith.fptosi %broadcast_in_dim3A_163 : vector<256x1xf32> to vector<256x1xi32>
      %add3A_165 = vector.broadcast %mul3A_19 : i32 to vector<256x1xi32>
      %add3A_166 = arith.addi %add3A_165, %convert_element_type3A_164 : vector<256x1xi32>
      %eq3A_167 = vector.broadcast %broadcast_in_dim3A_163 : vector<256x1xf32> to vector<256x1000xf32>
      %eq3A_168 = arith.cmpf oeq, %convert_element_type3A, %eq3A_167 : vector<256x1000xf32>
      %jit3A_169 = arith.constant 0x7F800000 : f32
      %broadcast_in_dim3A_170 = vector.broadcast %jit3A_169 : f32 to vector<256x1000xf32>
      %select_n3A_171 = arith.select %eq3A_168, %broadcast_in_dim3A_170, %get3A_152 : vector<256x1000xi1>, vector<256x1000xf32>
      %swap3A_172 = arith.constant 0 : index
      %swap3A_173 = arith.constant 0 : index
      %swap3A_174 = vector.load %arg7[%swap3A_172, %swap3A_173] : memref<256x1000xf32, #tpu.memory_space<vmem>>, vector<256x1000xf32>
      tpu.vector_store %arg7[%swap3A_172, %swap3A_173], %select_n3A_171 {strides = array<i32>} : memref<256x1000xf32, #tpu.memory_space<vmem>>, vector<256x1000xf32>,
      %get3A_175 = arith.constant 0 : index
      %get3A_176 = arith.constant 0 : index
      %get3A_177 = vector.load %arg7[%get3A_175, %get3A_176] : memref<256x1000xf32, #tpu.memory_space<vmem>>, vector<256x1000xf32>
      %reduce_min3A_178 = arith.constant dense<0x7F800000> : vector<256xf32>
      %reduce_min3A_179 = vector.multi_reduction <minimumf>, %get3A_177, %reduce_min3A_178 [1] : vector<256x1000xf32> to vector<256xf32>
      %broadcast_in_dim3A_180 = vector.shape_cast %reduce_min3A_179 : vector<256xf32> to vector<256x1xf32>
      %eq3A_181 = vector.broadcast %broadcast_in_dim3A_180 : vector<256x1xf32> to vector<256x1000xf32>
      %eq3A_182 = arith.cmpf oeq, %get3A_177, %eq3A_181 : vector<256x1000xf32>
      %jit3A_183 = arith.constant 1.000000e+09 : f32
      %broadcast_in_dim3A_184 = vector.broadcast %jit3A_183 : f32 to vector<256x1000xf32>
      %select_n3A_185 = arith.select %eq3A_182, %convert_element_type3A, %broadcast_in_dim3A_184 : vector<256x1000xi1>, vector<256x1000xf32>
      %reduce_min3A_186 = arith.constant dense<0x7F800000> : vector<256xf32>
      %reduce_min3A_187 = vector.multi_reduction <minimumf>, %select_n3A_185, %reduce_min3A_186 [1] : vector<256x1000xf32> to vector<256xf32>
      %broadcast_in_dim3A_188 = vector.shape_cast %reduce_min3A_187 : vector<256xf32> to vector<256x1xf32>
      %convert_element_type3A_189 = arith.fptosi %broadcast_in_dim3A_188 : vector<256x1xf32> to vector<256x1xi32>
      %add3A_190 = vector.broadcast %mul3A_19 : i32 to vector<256x1xi32>
      %add3A_191 = arith.addi %add3A_190, %convert_element_type3A_189 : vector<256x1xi32>
      %eq3A_192 = vector.broadcast %broadcast_in_dim3A_188 : vector<256x1xf32> to vector<256x1000xf32>
      %eq3A_193 = arith.cmpf oeq, %convert_element_type3A, %eq3A_192 : vector<256x1000xf32>
      %jit3A_194 = arith.constant 0x7F800000 : f32
      %broadcast_in_dim3A_195 = vector.broadcast %jit3A_194 : f32 to vector<256x1000xf32>
      %select_n3A_196 = arith.select %eq3A_193, %broadcast_in_dim3A_195, %get3A_177 : vector<256x1000xi1>, vector<256x1000xf32>
      %swap3A_197 = arith.constant 0 : index
      %swap3A_198 = arith.constant 0 : index
      %swap3A_199 = vector.load %arg7[%swap3A_197, %swap3A_198] : memref<256x1000xf32, #tpu.memory_space<vmem>>, vector<256x1000xf32>
      tpu.vector_store %arg7[%swap3A_197, %swap3A_198], %select_n3A_196 {strides = array<i32>} : memref<256x1000xf32, #tpu.memory_space<vmem>>, vector<256x1000xf32>,
      %get3A_200 = arith.constant 0 : index
      %get3A_201 = arith.constant 0 : index
      %get3A_202 = vector.load %arg7[%get3A_200, %get3A_201] : memref<256x1000xf32, #tpu.memory_space<vmem>>, vector<256x1000xf32>
      %reduce_min3A_203 = arith.constant dense<0x7F800000> : vector<256xf32>
      %reduce_min3A_204 = vector.multi_reduction <minimumf>, %get3A_202, %reduce_min3A_203 [1] : vector<256x1000xf32> to vector<256xf32>
      %broadcast_in_dim3A_205 = vector.shape_cast %reduce_min3A_204 : vector<256xf32> to vector<256x1xf32>
      %eq3A_206 = vector.broadcast %broadcast_in_dim3A_205 : vector<256x1xf32> to vector<256x1000xf32>
      %eq3A_207 = arith.cmpf oeq, %get3A_202, %eq3A_206 : vector<256x1000xf32>
      %jit3A_208 = arith.constant 1.000000e+09 : f32
      %broadcast_in_dim3A_209 = vector.broadcast %jit3A_208 : f32 to vector<256x1000xf32>
      %select_n3A_210 = arith.select %eq3A_207, %convert_element_type3A, %broadcast_in_dim3A_209 : vector<256x1000xi1>, vector<256x1000xf32>
      %reduce_min3A_211 = arith.constant dense<0x7F800000> : vector<256xf32>
      %reduce_min3A_212 = vector.multi_reduction <minimumf>, %select_n3A_210, %reduce_min3A_211 [1] : vector<256x1000xf32> to vector<256xf32>
      %broadcast_in_dim3A_213 = vector.shape_cast %reduce_min3A_212 : vector<256xf32> to vector<256x1xf32>
      %convert_element_type3A_214 = arith.fptosi %broadcast_in_dim3A_213 : vector<256x1xf32> to vector<256x1xi32>
      %add3A_215 = vector.broadcast %mul3A_19 : i32 to vector<256x1xi32>
      %add3A_216 = arith.addi %add3A_215, %convert_element_type3A_214 : vector<256x1xi32>
      %eq3A_217 = vector.broadcast %broadcast_in_dim3A_213 : vector<256x1xf32> to vector<256x1000xf32>
      %eq3A_218 = arith.cmpf oeq, %convert_element_type3A, %eq3A_217 : vector<256x1000xf32>
      %jit3A_219 = arith.constant 0x7F800000 : f32
      %broadcast_in_dim3A_220 = vector.broadcast %jit3A_219 : f32 to vector<256x1000xf32>
      %select_n3A_221 = arith.select %eq3A_218, %broadcast_in_dim3A_220, %get3A_202 : vector<256x1000xi1>, vector<256x1000xf32>
      %swap3A_222 = arith.constant 0 : index
      %swap3A_223 = arith.constant 0 : index
      %swap3A_224 = vector.load %arg7[%swap3A_222, %swap3A_223] : memref<256x1000xf32, #tpu.memory_space<vmem>>, vector<256x1000xf32>
      tpu.vector_store %arg7[%swap3A_222, %swap3A_223], %select_n3A_221 {strides = array<i32>} : memref<256x1000xf32, #tpu.memory_space<vmem>>, vector<256x1000xf32>,
      %get3A_225 = arith.constant 0 : index
      %get3A_226 = arith.constant 0 : index
      %get3A_227 = vector.load %arg7[%get3A_225, %get3A_226] : memref<256x1000xf32, #tpu.memory_space<vmem>>, vector<256x1000xf32>
      %reduce_min3A_228 = arith.constant dense<0x7F800000> : vector<256xf32>
      %reduce_min3A_229 = vector.multi_reduction <minimumf>, %get3A_227, %reduce_min3A_228 [1] : vector<256x1000xf32> to vector<256xf32>
      %broadcast_in_dim3A_230 = vector.shape_cast %reduce_min3A_229 : vector<256xf32> to vector<256x1xf32>
      %eq3A_231 = vector.broadcast %broadcast_in_dim3A_230 : vector<256x1xf32> to vector<256x1000xf32>
      %eq3A_232 = arith.cmpf oeq, %get3A_227, %eq3A_231 : vector<256x1000xf32>
      %jit3A_233 = arith.constant 1.000000e+09 : f32
      %broadcast_in_dim3A_234 = vector.broadcast %jit3A_233 : f32 to vector<256x1000xf32>
      %select_n3A_235 = arith.select %eq3A_232, %convert_element_type3A, %broadcast_in_dim3A_234 : vector<256x1000xi1>, vector<256x1000xf32>
      %reduce_min3A_236 = arith.constant dense<0x7F800000> : vector<256xf32>
      %reduce_min3A_237 = vector.multi_reduction <minimumf>, %select_n3A_235, %reduce_min3A_236 [1] : vector<256x1000xf32> to vector<256xf32>
      %broadcast_in_dim3A_238 = vector.shape_cast %reduce_min3A_237 : vector<256xf32> to vector<256x1xf32>
      %convert_element_type3A_239 = arith.fptosi %broadcast_in_dim3A_238 : vector<256x1xf32> to vector<256x1xi32>
      %add3A_240 = vector.broadcast %mul3A_19 : i32 to vector<256x1xi32>
      %add3A_241 = arith.addi %add3A_240, %convert_element_type3A_239 : vector<256x1xi32>
      %eq3A_242 = vector.broadcast %broadcast_in_dim3A_238 : vector<256x1xf32> to vector<256x1000xf32>
      %eq3A_243 = arith.cmpf oeq, %convert_element_type3A, %eq3A_242 : vector<256x1000xf32>
      %jit3A_244 = arith.constant 0x7F800000 : f32
      %broadcast_in_dim3A_245 = vector.broadcast %jit3A_244 : f32 to vector<256x1000xf32>
      %select_n3A_246 = arith.select %eq3A_243, %broadcast_in_dim3A_245, %get3A_227 : vector<256x1000xi1>, vector<256x1000xf32>
      %swap3A_247 = arith.constant 0 : index
      %swap3A_248 = arith.constant 0 : index
      %swap3A_249 = vector.load %arg7[%swap3A_247, %swap3A_248] : memref<256x1000xf32, #tpu.memory_space<vmem>>, vector<256x1000xf32>
      tpu.vector_store %arg7[%swap3A_247, %swap3A_248], %select_n3A_246 {strides = array<i32>} : memref<256x1000xf32, #tpu.memory_space<vmem>>, vector<256x1000xf32>,
      %get3A_250 = arith.constant 0 : index
      %get3A_251 = arith.constant 0 : index
      %get3A_252 = vector.load %arg7[%get3A_250, %get3A_251] : memref<256x1000xf32, #tpu.memory_space<vmem>>, vector<256x1000xf32>
      %reduce_min3A_253 = arith.constant dense<0x7F800000> : vector<256xf32>
      %reduce_min3A_254 = vector.multi_reduction <minimumf>, %get3A_252, %reduce_min3A_253 [1] : vector<256x1000xf32> to vector<256xf32>
      %broadcast_in_dim3A_255 = vector.shape_cast %reduce_min3A_254 : vector<256xf32> to vector<256x1xf32>
      %eq3A_256 = vector.broadcast %broadcast_in_dim3A_255 : vector<256x1xf32> to vector<256x1000xf32>
      %eq3A_257 = arith.cmpf oeq, %get3A_252, %eq3A_256 : vector<256x1000xf32>
      %jit3A_258 = arith.constant 1.000000e+09 : f32
      %broadcast_in_dim3A_259 = vector.broadcast %jit3A_258 : f32 to vector<256x1000xf32>
      %select_n3A_260 = arith.select %eq3A_257, %convert_element_type3A, %broadcast_in_dim3A_259 : vector<256x1000xi1>, vector<256x1000xf32>
      %reduce_min3A_261 = arith.constant dense<0x7F800000> : vector<256xf32>
      %reduce_min3A_262 = vector.multi_reduction <minimumf>, %select_n3A_260, %reduce_min3A_261 [1] : vector<256x1000xf32> to vector<256xf32>
      %broadcast_in_dim3A_263 = vector.shape_cast %reduce_min3A_262 : vector<256xf32> to vector<256x1xf32>
      %convert_element_type3A_264 = arith.fptosi %broadcast_in_dim3A_263 : vector<256x1xf32> to vector<256x1xi32>
      %add3A_265 = vector.broadcast %mul3A_19 : i32 to vector<256x1xi32>
      %add3A_266 = arith.addi %add3A_265, %convert_element_type3A_264 : vector<256x1xi32>
      %eq3A_267 = vector.broadcast %broadcast_in_dim3A_263 : vector<256x1xf32> to vector<256x1000xf32>
      %eq3A_268 = arith.cmpf oeq, %convert_element_type3A, %eq3A_267 : vector<256x1000xf32>
      %jit3A_269 = arith.constant 0x7F800000 : f32
      %broadcast_in_dim3A_270 = vector.broadcast %jit3A_269 : f32 to vector<256x1000xf32>
      %select_n3A_271 = arith.select %eq3A_268, %broadcast_in_dim3A_270, %get3A_252 : vector<256x1000xi1>, vector<256x1000xf32>
      %swap3A_272 = arith.constant 0 : index
      %swap3A_273 = arith.constant 0 : index
      %swap3A_274 = vector.load %arg7[%swap3A_272, %swap3A_273] : memref<256x1000xf32, #tpu.memory_space<vmem>>, vector<256x1000xf32>
      tpu.vector_store %arg7[%swap3A_272, %swap3A_273], %select_n3A_271 {strides = array<i32>} : memref<256x1000xf32, #tpu.memory_space<vmem>>, vector<256x1000xf32>,
      %get3A_275 = arith.constant 0 : index
      %get3A_276 = arith.constant 0 : index
      %get3A_277 = vector.load %arg7[%get3A_275, %get3A_276] : memref<256x1000xf32, #tpu.memory_space<vmem>>, vector<256x1000xf32>
      %reduce_min3A_278 = arith.constant dense<0x7F800000> : vector<256xf32>
      %reduce_min3A_279 = vector.multi_reduction <minimumf>, %get3A_277, %reduce_min3A_278 [1] : vector<256x1000xf32> to vector<256xf32>
      %broadcast_in_dim3A_280 = vector.shape_cast %reduce_min3A_279 : vector<256xf32> to vector<256x1xf32>
      %eq3A_281 = vector.broadcast %broadcast_in_dim3A_280 : vector<256x1xf32> to vector<256x1000xf32>
      %eq3A_282 = arith.cmpf oeq, %get3A_277, %eq3A_281 : vector<256x1000xf32>
      %jit3A_283 = arith.constant 1.000000e+09 : f32
      %broadcast_in_dim3A_284 = vector.broadcast %jit3A_283 : f32 to vector<256x1000xf32>
      %select_n3A_285 = arith.select %eq3A_282, %convert_element_type3A, %broadcast_in_dim3A_284 : vector<256x1000xi1>, vector<256x1000xf32>
      %reduce_min3A_286 = arith.constant dense<0x7F800000> : vector<256xf32>
      %reduce_min3A_287 = vector.multi_reduction <minimumf>, %select_n3A_285, %reduce_min3A_286 [1] : vector<256x1000xf32> to vector<256xf32>
      %broadcast_in_dim3A_288 = vector.shape_cast %reduce_min3A_287 : vector<256xf32> to vector<256x1xf32>
      %convert_element_type3A_289 = arith.fptosi %broadcast_in_dim3A_288 : vector<256x1xf32> to vector<256x1xi32>
      %add3A_290 = vector.broadcast %mul3A_19 : i32 to vector<256x1xi32>
      %add3A_291 = arith.addi %add3A_290, %convert_element_type3A_289 : vector<256x1xi32>
      %eq3A_292 = vector.broadcast %broadcast_in_dim3A_288 : vector<256x1xf32> to vector<256x1000xf32>
      %eq3A_293 = arith.cmpf oeq, %convert_element_type3A, %eq3A_292 : vector<256x1000xf32>
      %jit3A_294 = arith.constant 0x7F800000 : f32
      %broadcast_in_dim3A_295 = vector.broadcast %jit3A_294 : f32 to vector<256x1000xf32>
      %select_n3A_296 = arith.select %eq3A_293, %broadcast_in_dim3A_295, %get3A_277 : vector<256x1000xi1>, vector<256x1000xf32>
      %swap3A_297 = arith.constant 0 : index
      %swap3A_298 = arith.constant 0 : index
      %swap3A_299 = vector.load %arg7[%swap3A_297, %swap3A_298] : memref<256x1000xf32, #tpu.memory_space<vmem>>, vector<256x1000xf32>
      tpu.vector_store %arg7[%swap3A_297, %swap3A_298], %select_n3A_296 {strides = array<i32>} : memref<256x1000xf32, #tpu.memory_space<vmem>>, vector<256x1000xf32>,
      %get3A_300 = arith.constant 0 : index
      %get3A_301 = arith.constant 0 : index
      %get3A_302 = vector.load %arg7[%get3A_300, %get3A_301] : memref<256x1000xf32, #tpu.memory_space<vmem>>, vector<256x1000xf32>
      %reduce_min3A_303 = arith.constant dense<0x7F800000> : vector<256xf32>
      %reduce_min3A_304 = vector.multi_reduction <minimumf>, %get3A_302, %reduce_min3A_303 [1] : vector<256x1000xf32> to vector<256xf32>
      %broadcast_in_dim3A_305 = vector.shape_cast %reduce_min3A_304 : vector<256xf32> to vector<256x1xf32>
      %eq3A_306 = vector.broadcast %broadcast_in_dim3A_305 : vector<256x1xf32> to vector<256x1000xf32>
      %eq3A_307 = arith.cmpf oeq, %get3A_302, %eq3A_306 : vector<256x1000xf32>
      %jit3A_308 = arith.constant 1.000000e+09 : f32
      %broadcast_in_dim3A_309 = vector.broadcast %jit3A_308 : f32 to vector<256x1000xf32>
      %select_n3A_310 = arith.select %eq3A_307, %convert_element_type3A, %broadcast_in_dim3A_309 : vector<256x1000xi1>, vector<256x1000xf32>
      %reduce_min3A_311 = arith.constant dense<0x7F800000> : vector<256xf32>
      %reduce_min3A_312 = vector.multi_reduction <minimumf>, %select_n3A_310, %reduce_min3A_311 [1] : vector<256x1000xf32> to vector<256xf32>
      %broadcast_in_dim3A_313 = vector.shape_cast %reduce_min3A_312 : vector<256xf32> to vector<256x1xf32>
      %convert_element_type3A_314 = arith.fptosi %broadcast_in_dim3A_313 : vector<256x1xf32> to vector<256x1xi32>
      %add3A_315 = vector.broadcast %mul3A_19 : i32 to vector<256x1xi32>
      %add3A_316 = arith.addi %add3A_315, %convert_element_type3A_314 : vector<256x1xi32>
      %eq3A_317 = vector.broadcast %broadcast_in_dim3A_313 : vector<256x1xf32> to vector<256x1000xf32>
      %eq3A_318 = arith.cmpf oeq, %convert_element_type3A, %eq3A_317 : vector<256x1000xf32>
      %jit3A_319 = arith.constant 0x7F800000 : f32
      %broadcast_in_dim3A_320 = vector.broadcast %jit3A_319 : f32 to vector<256x1000xf32>
      %select_n3A_321 = arith.select %eq3A_318, %broadcast_in_dim3A_320, %get3A_302 : vector<256x1000xi1>, vector<256x1000xf32>
      %swap3A_322 = arith.constant 0 : index
      %swap3A_323 = arith.constant 0 : index
      %swap3A_324 = vector.load %arg7[%swap3A_322, %swap3A_323] : memref<256x1000xf32, #tpu.memory_space<vmem>>, vector<256x1000xf32>
      tpu.vector_store %arg7[%swap3A_322, %swap3A_323], %select_n3A_321 {strides = array<i32>} : memref<256x1000xf32, #tpu.memory_space<vmem>>, vector<256x1000xf32>,
      %get3A_325 = arith.constant 0 : index
      %get3A_326 = arith.constant 0 : index
      %get3A_327 = vector.load %arg7[%get3A_325, %get3A_326] : memref<256x1000xf32, #tpu.memory_space<vmem>>, vector<256x1000xf32>
      %reduce_min3A_328 = arith.constant dense<0x7F800000> : vector<256xf32>
      %reduce_min3A_329 = vector.multi_reduction <minimumf>, %get3A_327, %reduce_min3A_328 [1] : vector<256x1000xf32> to vector<256xf32>
      %broadcast_in_dim3A_330 = vector.shape_cast %reduce_min3A_329 : vector<256xf32> to vector<256x1xf32>
      %eq3A_331 = vector.broadcast %broadcast_in_dim3A_330 : vector<256x1xf32> to vector<256x1000xf32>
      %eq3A_332 = arith.cmpf oeq, %get3A_327, %eq3A_331 : vector<256x1000xf32>
      %jit3A_333 = arith.constant 1.000000e+09 : f32
      %broadcast_in_dim3A_334 = vector.broadcast %jit3A_333 : f32 to vector<256x1000xf32>
      %select_n3A_335 = arith.select %eq3A_332, %convert_element_type3A, %broadcast_in_dim3A_334 : vector<256x1000xi1>, vector<256x1000xf32>
      %reduce_min3A_336 = arith.constant dense<0x7F800000> : vector<256xf32>
      %reduce_min3A_337 = vector.multi_reduction <minimumf>, %select_n3A_335, %reduce_min3A_336 [1] : vector<256x1000xf32> to vector<256xf32>
      %broadcast_in_dim3A_338 = vector.shape_cast %reduce_min3A_337 : vector<256xf32> to vector<256x1xf32>
      %convert_element_type3A_339 = arith.fptosi %broadcast_in_dim3A_338 : vector<256x1xf32> to vector<256x1xi32>
      %add3A_340 = vector.broadcast %mul3A_19 : i32 to vector<256x1xi32>
      %add3A_341 = arith.addi %add3A_340, %convert_element_type3A_339 : vector<256x1xi32>
      %eq3A_342 = vector.broadcast %broadcast_in_dim3A_338 : vector<256x1xf32> to vector<256x1000xf32>
      %eq3A_343 = arith.cmpf oeq, %convert_element_type3A, %eq3A_342 : vector<256x1000xf32>
      %jit3A_344 = arith.constant 0x7F800000 : f32
      %broadcast_in_dim3A_345 = vector.broadcast %jit3A_344 : f32 to vector<256x1000xf32>
      %select_n3A_346 = arith.select %eq3A_343, %broadcast_in_dim3A_345, %get3A_327 : vector<256x1000xi1>, vector<256x1000xf32>
      %swap3A_347 = arith.constant 0 : index
      %swap3A_348 = arith.constant 0 : index
      %swap3A_349 = vector.load %arg7[%swap3A_347, %swap3A_348] : memref<256x1000xf32, #tpu.memory_space<vmem>>, vector<256x1000xf32>
      tpu.vector_store %arg7[%swap3A_347, %swap3A_348], %select_n3A_346 {strides = array<i32>} : memref<256x1000xf32, #tpu.memory_space<vmem>>, vector<256x1000xf32>,
      %get3A_350 = arith.constant 0 : index
      %get3A_351 = arith.constant 0 : index
      %get3A_352 = vector.load %arg7[%get3A_350, %get3A_351] : memref<256x1000xf32, #tpu.memory_space<vmem>>, vector<256x1000xf32>
      %reduce_min3A_353 = arith.constant dense<0x7F800000> : vector<256xf32>
      %reduce_min3A_354 = vector.multi_reduction <minimumf>, %get3A_352, %reduce_min3A_353 [1] : vector<256x1000xf32> to vector<256xf32>
      %broadcast_in_dim3A_355 = vector.shape_cast %reduce_min3A_354 : vector<256xf32> to vector<256x1xf32>
      %eq3A_356 = vector.broadcast %broadcast_in_dim3A_355 : vector<256x1xf32> to vector<256x1000xf32>
      %eq3A_357 = arith.cmpf oeq, %get3A_352, %eq3A_356 : vector<256x1000xf32>
      %jit3A_358 = arith.constant 1.000000e+09 : f32
      %broadcast_in_dim3A_359 = vector.broadcast %jit3A_358 : f32 to vector<256x1000xf32>
      %select_n3A_360 = arith.select %eq3A_357, %convert_element_type3A, %broadcast_in_dim3A_359 : vector<256x1000xi1>, vector<256x1000xf32>
      %reduce_min3A_361 = arith.constant dense<0x7F800000> : vector<256xf32>
      %reduce_min3A_362 = vector.multi_reduction <minimumf>, %select_n3A_360, %reduce_min3A_361 [1] : vector<256x1000xf32> to vector<256xf32>
      %broadcast_in_dim3A_363 = vector.shape_cast %reduce_min3A_362 : vector<256xf32> to vector<256x1xf32>
      %convert_element_type3A_364 = arith.fptosi %broadcast_in_dim3A_363 : vector<256x1xf32> to vector<256x1xi32>
      %add3A_365 = vector.broadcast %mul3A_19 : i32 to vector<256x1xi32>
      %add3A_366 = arith.addi %add3A_365, %convert_element_type3A_364 : vector<256x1xi32>
      %eq3A_367 = vector.broadcast %broadcast_in_dim3A_363 : vector<256x1xf32> to vector<256x1000xf32>
      %eq3A_368 = arith.cmpf oeq, %convert_element_type3A, %eq3A_367 : vector<256x1000xf32>
      %jit3A_369 = arith.constant 0x7F800000 : f32
      %broadcast_in_dim3A_370 = vector.broadcast %jit3A_369 : f32 to vector<256x1000xf32>
      %select_n3A_371 = arith.select %eq3A_368, %broadcast_in_dim3A_370, %get3A_352 : vector<256x1000xi1>, vector<256x1000xf32>
      %swap3A_372 = arith.constant 0 : index
      %swap3A_373 = arith.constant 0 : index
      %swap3A_374 = vector.load %arg7[%swap3A_372, %swap3A_373] : memref<256x1000xf32, #tpu.memory_space<vmem>>, vector<256x1000xf32>
      tpu.vector_store %arg7[%swap3A_372, %swap3A_373], %select_n3A_371 {strides = array<i32>} : memref<256x1000xf32, #tpu.memory_space<vmem>>, vector<256x1000xf32>,
      %get3A_375 = arith.constant 0 : index
      %get3A_376 = arith.constant 0 : index
      %get3A_377 = vector.load %arg7[%get3A_375, %get3A_376] : memref<256x1000xf32, #tpu.memory_space<vmem>>, vector<256x1000xf32>
      %reduce_min3A_378 = arith.constant dense<0x7F800000> : vector<256xf32>
      %reduce_min3A_379 = vector.multi_reduction <minimumf>, %get3A_377, %reduce_min3A_378 [1] : vector<256x1000xf32> to vector<256xf32>
      %broadcast_in_dim3A_380 = vector.shape_cast %reduce_min3A_379 : vector<256xf32> to vector<256x1xf32>
      %eq3A_381 = vector.broadcast %broadcast_in_dim3A_380 : vector<256x1xf32> to vector<256x1000xf32>
      %eq3A_382 = arith.cmpf oeq, %get3A_377, %eq3A_381 : vector<256x1000xf32>
      %jit3A_383 = arith.constant 1.000000e+09 : f32
      %broadcast_in_dim3A_384 = vector.broadcast %jit3A_383 : f32 to vector<256x1000xf32>
      %select_n3A_385 = arith.select %eq3A_382, %convert_element_type3A, %broadcast_in_dim3A_384 : vector<256x1000xi1>, vector<256x1000xf32>
      %reduce_min3A_386 = arith.constant dense<0x7F800000> : vector<256xf32>
      %reduce_min3A_387 = vector.multi_reduction <minimumf>, %select_n3A_385, %reduce_min3A_386 [1] : vector<256x1000xf32> to vector<256xf32>
      %broadcast_in_dim3A_388 = vector.shape_cast %reduce_min3A_387 : vector<256xf32> to vector<256x1xf32>
      %convert_element_type3A_389 = arith.fptosi %broadcast_in_dim3A_388 : vector<256x1xf32> to vector<256x1xi32>
      %add3A_390 = vector.broadcast %mul3A_19 : i32 to vector<256x1xi32>
      %add3A_391 = arith.addi %add3A_390, %convert_element_type3A_389 : vector<256x1xi32>
      %eq3A_392 = vector.broadcast %broadcast_in_dim3A_388 : vector<256x1xf32> to vector<256x1000xf32>
      %eq3A_393 = arith.cmpf oeq, %convert_element_type3A, %eq3A_392 : vector<256x1000xf32>
      %jit3A_394 = arith.constant 0x7F800000 : f32
      %broadcast_in_dim3A_395 = vector.broadcast %jit3A_394 : f32 to vector<256x1000xf32>
      %select_n3A_396 = arith.select %eq3A_393, %broadcast_in_dim3A_395, %get3A_377 : vector<256x1000xi1>, vector<256x1000xf32>
      %swap3A_397 = arith.constant 0 : index
      %swap3A_398 = arith.constant 0 : index
      %swap3A_399 = vector.load %arg7[%swap3A_397, %swap3A_398] : memref<256x1000xf32, #tpu.memory_space<vmem>>, vector<256x1000xf32>
      tpu.vector_store %arg7[%swap3A_397, %swap3A_398], %select_n3A_396 {strides = array<i32>} : memref<256x1000xf32, #tpu.memory_space<vmem>>, vector<256x1000xf32>,
      %get3A_400 = arith.constant 0 : index
      %get3A_401 = arith.constant 0 : index
      %get3A_402 = vector.load %arg7[%get3A_400, %get3A_401] : memref<256x1000xf32, #tpu.memory_space<vmem>>, vector<256x1000xf32>
      %reduce_min3A_403 = arith.constant dense<0x7F800000> : vector<256xf32>
      %reduce_min3A_404 = vector.multi_reduction <minimumf>, %get3A_402, %reduce_min3A_403 [1] : vector<256x1000xf32> to vector<256xf32>
      %broadcast_in_dim3A_405 = vector.shape_cast %reduce_min3A_404 : vector<256xf32> to vector<256x1xf32>
      %eq3A_406 = vector.broadcast %broadcast_in_dim3A_405 : vector<256x1xf32> to vector<256x1000xf32>
      %eq3A_407 = arith.cmpf oeq, %get3A_402, %eq3A_406 : vector<256x1000xf32>
      %jit3A_408 = arith.constant 1.000000e+09 : f32
      %broadcast_in_dim3A_409 = vector.broadcast %jit3A_408 : f32 to vector<256x1000xf32>
      %select_n3A_410 = arith.select %eq3A_407, %convert_element_type3A, %broadcast_in_dim3A_409 : vector<256x1000xi1>, vector<256x1000xf32>
      %reduce_min3A_411 = arith.constant dense<0x7F800000> : vector<256xf32>
      %reduce_min3A_412 = vector.multi_reduction <minimumf>, %select_n3A_410, %reduce_min3A_411 [1] : vector<256x1000xf32> to vector<256xf32>
      %broadcast_in_dim3A_413 = vector.shape_cast %reduce_min3A_412 : vector<256xf32> to vector<256x1xf32>
      %convert_element_type3A_414 = arith.fptosi %broadcast_in_dim3A_413 : vector<256x1xf32> to vector<256x1xi32>
      %add3A_415 = vector.broadcast %mul3A_19 : i32 to vector<256x1xi32>
      %add3A_416 = arith.addi %add3A_415, %convert_element_type3A_414 : vector<256x1xi32>
      %eq3A_417 = vector.broadcast %broadcast_in_dim3A_413 : vector<256x1xf32> to vector<256x1000xf32>
      %eq3A_418 = arith.cmpf oeq, %convert_element_type3A, %eq3A_417 : vector<256x1000xf32>
      %jit3A_419 = arith.constant 0x7F800000 : f32
      %broadcast_in_dim3A_420 = vector.broadcast %jit3A_419 : f32 to vector<256x1000xf32>
      %select_n3A_421 = arith.select %eq3A_418, %broadcast_in_dim3A_420, %get3A_402 : vector<256x1000xi1>, vector<256x1000xf32>
      %swap3A_422 = arith.constant 0 : index
      %swap3A_423 = arith.constant 0 : index
      %swap3A_424 = vector.load %arg7[%swap3A_422, %swap3A_423] : memref<256x1000xf32, #tpu.memory_space<vmem>>, vector<256x1000xf32>
      tpu.vector_store %arg7[%swap3A_422, %swap3A_423], %select_n3A_421 {strides = array<i32>} : memref<256x1000xf32, #tpu.memory_space<vmem>>, vector<256x1000xf32>,
      %get3A_425 = arith.constant 0 : index
      %get3A_426 = arith.constant 0 : index
      %get3A_427 = vector.load %arg7[%get3A_425, %get3A_426] : memref<256x1000xf32, #tpu.memory_space<vmem>>, vector<256x1000xf32>
      %reduce_min3A_428 = arith.constant dense<0x7F800000> : vector<256xf32>
      %reduce_min3A_429 = vector.multi_reduction <minimumf>, %get3A_427, %reduce_min3A_428 [1] : vector<256x1000xf32> to vector<256xf32>
      %broadcast_in_dim3A_430 = vector.shape_cast %reduce_min3A_429 : vector<256xf32> to vector<256x1xf32>
      %eq3A_431 = vector.broadcast %broadcast_in_dim3A_430 : vector<256x1xf32> to vector<256x1000xf32>
      %eq3A_432 = arith.cmpf oeq, %get3A_427, %eq3A_431 : vector<256x1000xf32>
      %jit3A_433 = arith.constant 1.000000e+09 : f32
      %broadcast_in_dim3A_434 = vector.broadcast %jit3A_433 : f32 to vector<256x1000xf32>
      %select_n3A_435 = arith.select %eq3A_432, %convert_element_type3A, %broadcast_in_dim3A_434 : vector<256x1000xi1>, vector<256x1000xf32>
      %reduce_min3A_436 = arith.constant dense<0x7F800000> : vector<256xf32>
      %reduce_min3A_437 = vector.multi_reduction <minimumf>, %select_n3A_435, %reduce_min3A_436 [1] : vector<256x1000xf32> to vector<256xf32>
      %broadcast_in_dim3A_438 = vector.shape_cast %reduce_min3A_437 : vector<256xf32> to vector<256x1xf32>
      %convert_element_type3A_439 = arith.fptosi %broadcast_in_dim3A_438 : vector<256x1xf32> to vector<256x1xi32>
      %add3A_440 = vector.broadcast %mul3A_19 : i32 to vector<256x1xi32>
      %add3A_441 = arith.addi %add3A_440, %convert_element_type3A_439 : vector<256x1xi32>
      %eq3A_442 = vector.broadcast %broadcast_in_dim3A_438 : vector<256x1xf32> to vector<256x1000xf32>
      %eq3A_443 = arith.cmpf oeq, %convert_element_type3A, %eq3A_442 : vector<256x1000xf32>
      %jit3A_444 = arith.constant 0x7F800000 : f32
      %broadcast_in_dim3A_445 = vector.broadcast %jit3A_444 : f32 to vector<256x1000xf32>
      %select_n3A_446 = arith.select %eq3A_443, %broadcast_in_dim3A_445, %get3A_427 : vector<256x1000xi1>, vector<256x1000xf32>
      %swap3A_447 = arith.constant 0 : index
      %swap3A_448 = arith.constant 0 : index
      %swap3A_449 = vector.load %arg7[%swap3A_447, %swap3A_448] : memref<256x1000xf32, #tpu.memory_space<vmem>>, vector<256x1000xf32>
      tpu.vector_store %arg7[%swap3A_447, %swap3A_448], %select_n3A_446 {strides = array<i32>} : memref<256x1000xf32, #tpu.memory_space<vmem>>, vector<256x1000xf32>,
      %get3A_450 = arith.constant 0 : index
      %get3A_451 = arith.constant 0 : index
      %get3A_452 = vector.load %arg7[%get3A_450, %get3A_451] : memref<256x1000xf32, #tpu.memory_space<vmem>>, vector<256x1000xf32>
      %reduce_min3A_453 = arith.constant dense<0x7F800000> : vector<256xf32>
      %reduce_min3A_454 = vector.multi_reduction <minimumf>, %get3A_452, %reduce_min3A_453 [1] : vector<256x1000xf32> to vector<256xf32>
      %broadcast_in_dim3A_455 = vector.shape_cast %reduce_min3A_454 : vector<256xf32> to vector<256x1xf32>
      %eq3A_456 = vector.broadcast %broadcast_in_dim3A_455 : vector<256x1xf32> to vector<256x1000xf32>
      %eq3A_457 = arith.cmpf oeq, %get3A_452, %eq3A_456 : vector<256x1000xf32>
      %jit3A_458 = arith.constant 1.000000e+09 : f32
      %broadcast_in_dim3A_459 = vector.broadcast %jit3A_458 : f32 to vector<256x1000xf32>
      %select_n3A_460 = arith.select %eq3A_457, %convert_element_type3A, %broadcast_in_dim3A_459 : vector<256x1000xi1>, vector<256x1000xf32>
      %reduce_min3A_461 = arith.constant dense<0x7F800000> : vector<256xf32>
      %reduce_min3A_462 = vector.multi_reduction <minimumf>, %select_n3A_460, %reduce_min3A_461 [1] : vector<256x1000xf32> to vector<256xf32>
      %broadcast_in_dim3A_463 = vector.shape_cast %reduce_min3A_462 : vector<256xf32> to vector<256x1xf32>
      %convert_element_type3A_464 = arith.fptosi %broadcast_in_dim3A_463 : vector<256x1xf32> to vector<256x1xi32>
      %add3A_465 = vector.broadcast %mul3A_19 : i32 to vector<256x1xi32>
      %add3A_466 = arith.addi %add3A_465, %convert_element_type3A_464 : vector<256x1xi32>
      %eq3A_467 = vector.broadcast %broadcast_in_dim3A_463 : vector<256x1xf32> to vector<256x1000xf32>
      %eq3A_468 = arith.cmpf oeq, %convert_element_type3A, %eq3A_467 : vector<256x1000xf32>
      %jit3A_469 = arith.constant 0x7F800000 : f32
      %broadcast_in_dim3A_470 = vector.broadcast %jit3A_469 : f32 to vector<256x1000xf32>
      %select_n3A_471 = arith.select %eq3A_468, %broadcast_in_dim3A_470, %get3A_452 : vector<256x1000xi1>, vector<256x1000xf32>
      %swap3A_472 = arith.constant 0 : index
      %swap3A_473 = arith.constant 0 : index
      %swap3A_474 = vector.load %arg7[%swap3A_472, %swap3A_473] : memref<256x1000xf32, #tpu.memory_space<vmem>>, vector<256x1000xf32>
      tpu.vector_store %arg7[%swap3A_472, %swap3A_473], %select_n3A_471 {strides = array<i32>} : memref<256x1000xf32, #tpu.memory_space<vmem>>, vector<256x1000xf32>,
      %get3A_475 = arith.constant 0 : index
      %get3A_476 = arith.constant 0 : index
      %get3A_477 = vector.load %arg7[%get3A_475, %get3A_476] : memref<256x1000xf32, #tpu.memory_space<vmem>>, vector<256x1000xf32>
      %reduce_min3A_478 = arith.constant dense<0x7F800000> : vector<256xf32>
      %reduce_min3A_479 = vector.multi_reduction <minimumf>, %get3A_477, %reduce_min3A_478 [1] : vector<256x1000xf32> to vector<256xf32>
      %broadcast_in_dim3A_480 = vector.shape_cast %reduce_min3A_479 : vector<256xf32> to vector<256x1xf32>
      %eq3A_481 = vector.broadcast %broadcast_in_dim3A_480 : vector<256x1xf32> to vector<256x1000xf32>
      %eq3A_482 = arith.cmpf oeq, %get3A_477, %eq3A_481 : vector<256x1000xf32>
      %jit3A_483 = arith.constant 1.000000e+09 : f32
      %broadcast_in_dim3A_484 = vector.broadcast %jit3A_483 : f32 to vector<256x1000xf32>
      %select_n3A_485 = arith.select %eq3A_482, %convert_element_type3A, %broadcast_in_dim3A_484 : vector<256x1000xi1>, vector<256x1000xf32>
      %reduce_min3A_486 = arith.constant dense<0x7F800000> : vector<256xf32>
      %reduce_min3A_487 = vector.multi_reduction <minimumf>, %select_n3A_485, %reduce_min3A_486 [1] : vector<256x1000xf32> to vector<256xf32>
      %broadcast_in_dim3A_488 = vector.shape_cast %reduce_min3A_487 : vector<256xf32> to vector<256x1xf32>
      %convert_element_type3A_489 = arith.fptosi %broadcast_in_dim3A_488 : vector<256x1xf32> to vector<256x1xi32>
      %add3A_490 = vector.broadcast %mul3A_19 : i32 to vector<256x1xi32>
      %add3A_491 = arith.addi %add3A_490, %convert_element_type3A_489 : vector<256x1xi32>
      %eq3A_492 = vector.broadcast %broadcast_in_dim3A_488 : vector<256x1xf32> to vector<256x1000xf32>
      %eq3A_493 = arith.cmpf oeq, %convert_element_type3A, %eq3A_492 : vector<256x1000xf32>
      %jit3A_494 = arith.constant 0x7F800000 : f32
      %broadcast_in_dim3A_495 = vector.broadcast %jit3A_494 : f32 to vector<256x1000xf32>
      %select_n3A_496 = arith.select %eq3A_493, %broadcast_in_dim3A_495, %get3A_477 : vector<256x1000xi1>, vector<256x1000xf32>
      %swap3A_497 = arith.constant 0 : index
      %swap3A_498 = arith.constant 0 : index
      %swap3A_499 = vector.load %arg7[%swap3A_497, %swap3A_498] : memref<256x1000xf32, #tpu.memory_space<vmem>>, vector<256x1000xf32>
      tpu.vector_store %arg7[%swap3A_497, %swap3A_498], %select_n3A_496 {strides = array<i32>} : memref<256x1000xf32, #tpu.memory_space<vmem>>, vector<256x1000xf32>,
      %get3A_500 = arith.constant 0 : index
      %get3A_501 = arith.constant 0 : index
      %get3A_502 = vector.load %arg7[%get3A_500, %get3A_501] : memref<256x1000xf32, #tpu.memory_space<vmem>>, vector<256x1000xf32>
      %reduce_min3A_503 = arith.constant dense<0x7F800000> : vector<256xf32>
      %reduce_min3A_504 = vector.multi_reduction <minimumf>, %get3A_502, %reduce_min3A_503 [1] : vector<256x1000xf32> to vector<256xf32>
      %broadcast_in_dim3A_505 = vector.shape_cast %reduce_min3A_504 : vector<256xf32> to vector<256x1xf32>
      %eq3A_506 = vector.broadcast %broadcast_in_dim3A_505 : vector<256x1xf32> to vector<256x1000xf32>
      %eq3A_507 = arith.cmpf oeq, %get3A_502, %eq3A_506 : vector<256x1000xf32>
      %jit3A_508 = arith.constant 1.000000e+09 : f32
      %broadcast_in_dim3A_509 = vector.broadcast %jit3A_508 : f32 to vector<256x1000xf32>
      %select_n3A_510 = arith.select %eq3A_507, %convert_element_type3A, %broadcast_in_dim3A_509 : vector<256x1000xi1>, vector<256x1000xf32>
      %reduce_min3A_511 = arith.constant dense<0x7F800000> : vector<256xf32>
      %reduce_min3A_512 = vector.multi_reduction <minimumf>, %select_n3A_510, %reduce_min3A_511 [1] : vector<256x1000xf32> to vector<256xf32>
      %broadcast_in_dim3A_513 = vector.shape_cast %reduce_min3A_512 : vector<256xf32> to vector<256x1xf32>
      %convert_element_type3A_514 = arith.fptosi %broadcast_in_dim3A_513 : vector<256x1xf32> to vector<256x1xi32>
      %add3A_515 = vector.broadcast %mul3A_19 : i32 to vector<256x1xi32>
      %add3A_516 = arith.addi %add3A_515, %convert_element_type3A_514 : vector<256x1xi32>
      %eq3A_517 = vector.broadcast %broadcast_in_dim3A_513 : vector<256x1xf32> to vector<256x1000xf32>
      %eq3A_518 = arith.cmpf oeq, %convert_element_type3A, %eq3A_517 : vector<256x1000xf32>
      %jit3A_519 = arith.constant 0x7F800000 : f32
      %broadcast_in_dim3A_520 = vector.broadcast %jit3A_519 : f32 to vector<256x1000xf32>
      %select_n3A_521 = arith.select %eq3A_518, %broadcast_in_dim3A_520, %get3A_502 : vector<256x1000xi1>, vector<256x1000xf32>
      %swap3A_522 = arith.constant 0 : index
      %swap3A_523 = arith.constant 0 : index
      %swap3A_524 = vector.load %arg7[%swap3A_522, %swap3A_523] : memref<256x1000xf32, #tpu.memory_space<vmem>>, vector<256x1000xf32>
      tpu.vector_store %arg7[%swap3A_522, %swap3A_523], %select_n3A_521 {strides = array<i32>} : memref<256x1000xf32, #tpu.memory_space<vmem>>, vector<256x1000xf32>,
      %get3A_525 = arith.constant 0 : index
      %get3A_526 = arith.constant 0 : index
      %get3A_527 = vector.load %arg7[%get3A_525, %get3A_526] : memref<256x1000xf32, #tpu.memory_space<vmem>>, vector<256x1000xf32>
      %reduce_min3A_528 = arith.constant dense<0x7F800000> : vector<256xf32>
      %reduce_min3A_529 = vector.multi_reduction <minimumf>, %get3A_527, %reduce_min3A_528 [1] : vector<256x1000xf32> to vector<256xf32>
      %broadcast_in_dim3A_530 = vector.shape_cast %reduce_min3A_529 : vector<256xf32> to vector<256x1xf32>
      %eq3A_531 = vector.broadcast %broadcast_in_dim3A_530 : vector<256x1xf32> to vector<256x1000xf32>
      %eq3A_532 = arith.cmpf oeq, %get3A_527, %eq3A_531 : vector<256x1000xf32>
      %jit3A_533 = arith.constant 1.000000e+09 : f32
      %broadcast_in_dim3A_534 = vector.broadcast %jit3A_533 : f32 to vector<256x1000xf32>
      %select_n3A_535 = arith.select %eq3A_532, %convert_element_type3A, %broadcast_in_dim3A_534 : vector<256x1000xi1>, vector<256x1000xf32>
      %reduce_min3A_536 = arith.constant dense<0x7F800000> : vector<256xf32>
      %reduce_min3A_537 = vector.multi_reduction <minimumf>, %select_n3A_535, %reduce_min3A_536 [1] : vector<256x1000xf32> to vector<256xf32>
      %broadcast_in_dim3A_538 = vector.shape_cast %reduce_min3A_537 : vector<256xf32> to vector<256x1xf32>
      %convert_element_type3A_539 = arith.fptosi %broadcast_in_dim3A_538 : vector<256x1xf32> to vector<256x1xi32>
      %add3A_540 = vector.broadcast %mul3A_19 : i32 to vector<256x1xi32>
      %add3A_541 = arith.addi %add3A_540, %convert_element_type3A_539 : vector<256x1xi32>
      %eq3A_542 = vector.broadcast %broadcast_in_dim3A_538 : vector<256x1xf32> to vector<256x1000xf32>
      %eq3A_543 = arith.cmpf oeq, %convert_element_type3A, %eq3A_542 : vector<256x1000xf32>
      %jit3A_544 = arith.constant 0x7F800000 : f32
      %broadcast_in_dim3A_545 = vector.broadcast %jit3A_544 : f32 to vector<256x1000xf32>
      %select_n3A_546 = arith.select %eq3A_543, %broadcast_in_dim3A_545, %get3A_527 : vector<256x1000xi1>, vector<256x1000xf32>
      %swap3A_547 = arith.constant 0 : index
      %swap3A_548 = arith.constant 0 : index
      %swap3A_549 = vector.load %arg7[%swap3A_547, %swap3A_548] : memref<256x1000xf32, #tpu.memory_space<vmem>>, vector<256x1000xf32>
      tpu.vector_store %arg7[%swap3A_547, %swap3A_548], %select_n3A_546 {strides = array<i32>} : memref<256x1000xf32, #tpu.memory_space<vmem>>, vector<256x1000xf32>,
      %get3A_550 = arith.constant 0 : index
      %get3A_551 = arith.constant 0 : index
      %get3A_552 = vector.load %arg7[%get3A_550, %get3A_551] : memref<256x1000xf32, #tpu.memory_space<vmem>>, vector<256x1000xf32>
      %reduce_min3A_553 = arith.constant dense<0x7F800000> : vector<256xf32>
      %reduce_min3A_554 = vector.multi_reduction <minimumf>, %get3A_552, %reduce_min3A_553 [1] : vector<256x1000xf32> to vector<256xf32>
      %broadcast_in_dim3A_555 = vector.shape_cast %reduce_min3A_554 : vector<256xf32> to vector<256x1xf32>
      %eq3A_556 = vector.broadcast %broadcast_in_dim3A_555 : vector<256x1xf32> to vector<256x1000xf32>
      %eq3A_557 = arith.cmpf oeq, %get3A_552, %eq3A_556 : vector<256x1000xf32>
      %jit3A_558 = arith.constant 1.000000e+09 : f32
      %broadcast_in_dim3A_559 = vector.broadcast %jit3A_558 : f32 to vector<256x1000xf32>
      %select_n3A_560 = arith.select %eq3A_557, %convert_element_type3A, %broadcast_in_dim3A_559 : vector<256x1000xi1>, vector<256x1000xf32>
      %reduce_min3A_561 = arith.constant dense<0x7F800000> : vector<256xf32>
      %reduce_min3A_562 = vector.multi_reduction <minimumf>, %select_n3A_560, %reduce_min3A_561 [1] : vector<256x1000xf32> to vector<256xf32>
      %broadcast_in_dim3A_563 = vector.shape_cast %reduce_min3A_562 : vector<256xf32> to vector<256x1xf32>
      %convert_element_type3A_564 = arith.fptosi %broadcast_in_dim3A_563 : vector<256x1xf32> to vector<256x1xi32>
      %add3A_565 = vector.broadcast %mul3A_19 : i32 to vector<256x1xi32>
      %add3A_566 = arith.addi %add3A_565, %convert_element_type3A_564 : vector<256x1xi32>
      %eq3A_567 = vector.broadcast %broadcast_in_dim3A_563 : vector<256x1xf32> to vector<256x1000xf32>
      %eq3A_568 = arith.cmpf oeq, %convert_element_type3A, %eq3A_567 : vector<256x1000xf32>
      %jit3A_569 = arith.constant 0x7F800000 : f32
      %broadcast_in_dim3A_570 = vector.broadcast %jit3A_569 : f32 to vector<256x1000xf32>
      %select_n3A_571 = arith.select %eq3A_568, %broadcast_in_dim3A_570, %get3A_552 : vector<256x1000xi1>, vector<256x1000xf32>
      %swap3A_572 = arith.constant 0 : index
      %swap3A_573 = arith.constant 0 : index
      %swap3A_574 = vector.load %arg7[%swap3A_572, %swap3A_573] : memref<256x1000xf32, #tpu.memory_space<vmem>>, vector<256x1000xf32>
      tpu.vector_store %arg7[%swap3A_572, %swap3A_573], %select_n3A_571 {strides = array<i32>} : memref<256x1000xf32, #tpu.memory_space<vmem>>, vector<256x1000xf32>,
      %get3A_575 = arith.constant 0 : index
      %get3A_576 = arith.constant 0 : index
      %get3A_577 = vector.load %arg7[%get3A_575, %get3A_576] : memref<256x1000xf32, #tpu.memory_space<vmem>>, vector<256x1000xf32>
      %reduce_min3A_578 = arith.constant dense<0x7F800000> : vector<256xf32>
      %reduce_min3A_579 = vector.multi_reduction <minimumf>, %get3A_577, %reduce_min3A_578 [1] : vector<256x1000xf32> to vector<256xf32>
      %broadcast_in_dim3A_580 = vector.shape_cast %reduce_min3A_579 : vector<256xf32> to vector<256x1xf32>
      %eq3A_581 = vector.broadcast %broadcast_in_dim3A_580 : vector<256x1xf32> to vector<256x1000xf32>
      %eq3A_582 = arith.cmpf oeq, %get3A_577, %eq3A_581 : vector<256x1000xf32>
      %jit3A_583 = arith.constant 1.000000e+09 : f32
      %broadcast_in_dim3A_584 = vector.broadcast %jit3A_583 : f32 to vector<256x1000xf32>
      %select_n3A_585 = arith.select %eq3A_582, %convert_element_type3A, %broadcast_in_dim3A_584 : vector<256x1000xi1>, vector<256x1000xf32>
      %reduce_min3A_586 = arith.constant dense<0x7F800000> : vector<256xf32>
      %reduce_min3A_587 = vector.multi_reduction <minimumf>, %select_n3A_585, %reduce_min3A_586 [1] : vector<256x1000xf32> to vector<256xf32>
      %broadcast_in_dim3A_588 = vector.shape_cast %reduce_min3A_587 : vector<256xf32> to vector<256x1xf32>
      %convert_element_type3A_589 = arith.fptosi %broadcast_in_dim3A_588 : vector<256x1xf32> to vector<256x1xi32>
      %add3A_590 = vector.broadcast %mul3A_19 : i32 to vector<256x1xi32>
      %add3A_591 = arith.addi %add3A_590, %convert_element_type3A_589 : vector<256x1xi32>
      %eq3A_592 = vector.broadcast %broadcast_in_dim3A_588 : vector<256x1xf32> to vector<256x1000xf32>
      %eq3A_593 = arith.cmpf oeq, %convert_element_type3A, %eq3A_592 : vector<256x1000xf32>
      %jit3A_594 = arith.constant 0x7F800000 : f32
      %broadcast_in_dim3A_595 = vector.broadcast %jit3A_594 : f32 to vector<256x1000xf32>
      %select_n3A_596 = arith.select %eq3A_593, %broadcast_in_dim3A_595, %get3A_577 : vector<256x1000xi1>, vector<256x1000xf32>
      %swap3A_597 = arith.constant 0 : index
      %swap3A_598 = arith.constant 0 : index
      %swap3A_599 = vector.load %arg7[%swap3A_597, %swap3A_598] : memref<256x1000xf32, #tpu.memory_space<vmem>>, vector<256x1000xf32>
      tpu.vector_store %arg7[%swap3A_597, %swap3A_598], %select_n3A_596 {strides = array<i32>} : memref<256x1000xf32, #tpu.memory_space<vmem>>, vector<256x1000xf32>,
      %get3A_600 = arith.constant 0 : index
      %get3A_601 = arith.constant 0 : index
      %get3A_602 = vector.load %arg7[%get3A_600, %get3A_601] : memref<256x1000xf32, #tpu.memory_space<vmem>>, vector<256x1000xf32>
      %reduce_min3A_603 = arith.constant dense<0x7F800000> : vector<256xf32>
      %reduce_min3A_604 = vector.multi_reduction <minimumf>, %get3A_602, %reduce_min3A_603 [1] : vector<256x1000xf32> to vector<256xf32>
      %broadcast_in_dim3A_605 = vector.shape_cast %reduce_min3A_604 : vector<256xf32> to vector<256x1xf32>
      %eq3A_606 = vector.broadcast %broadcast_in_dim3A_605 : vector<256x1xf32> to vector<256x1000xf32>
      %eq3A_607 = arith.cmpf oeq, %get3A_602, %eq3A_606 : vector<256x1000xf32>
      %jit3A_608 = arith.constant 1.000000e+09 : f32
      %broadcast_in_dim3A_609 = vector.broadcast %jit3A_608 : f32 to vector<256x1000xf32>
      %select_n3A_610 = arith.select %eq3A_607, %convert_element_type3A, %broadcast_in_dim3A_609 : vector<256x1000xi1>, vector<256x1000xf32>
      %reduce_min3A_611 = arith.constant dense<0x7F800000> : vector<256xf32>
      %reduce_min3A_612 = vector.multi_reduction <minimumf>, %select_n3A_610, %reduce_min3A_611 [1] : vector<256x1000xf32> to vector<256xf32>
      %broadcast_in_dim3A_613 = vector.shape_cast %reduce_min3A_612 : vector<256xf32> to vector<256x1xf32>
      %convert_element_type3A_614 = arith.fptosi %broadcast_in_dim3A_613 : vector<256x1xf32> to vector<256x1xi32>
      %add3A_615 = vector.broadcast %mul3A_19 : i32 to vector<256x1xi32>
      %add3A_616 = arith.addi %add3A_615, %convert_element_type3A_614 : vector<256x1xi32>
      %eq3A_617 = vector.broadcast %broadcast_in_dim3A_613 : vector<256x1xf32> to vector<256x1000xf32>
      %eq3A_618 = arith.cmpf oeq, %convert_element_type3A, %eq3A_617 : vector<256x1000xf32>
      %jit3A_619 = arith.constant 0x7F800000 : f32
      %broadcast_in_dim3A_620 = vector.broadcast %jit3A_619 : f32 to vector<256x1000xf32>
      %select_n3A_621 = arith.select %eq3A_618, %broadcast_in_dim3A_620, %get3A_602 : vector<256x1000xi1>, vector<256x1000xf32>
      %swap3A_622 = arith.constant 0 : index
      %swap3A_623 = arith.constant 0 : index
      %swap3A_624 = vector.load %arg7[%swap3A_622, %swap3A_623] : memref<256x1000xf32, #tpu.memory_space<vmem>>, vector<256x1000xf32>
      tpu.vector_store %arg7[%swap3A_622, %swap3A_623], %select_n3A_621 {strides = array<i32>} : memref<256x1000xf32, #tpu.memory_space<vmem>>, vector<256x1000xf32>,
      %get3A_625 = arith.constant 0 : index
      %get3A_626 = arith.constant 0 : index
      %get3A_627 = vector.load %arg7[%get3A_625, %get3A_626] : memref<256x1000xf32, #tpu.memory_space<vmem>>, vector<256x1000xf32>
      %reduce_min3A_628 = arith.constant dense<0x7F800000> : vector<256xf32>
      %reduce_min3A_629 = vector.multi_reduction <minimumf>, %get3A_627, %reduce_min3A_628 [1] : vector<256x1000xf32> to vector<256xf32>
      %broadcast_in_dim3A_630 = vector.shape_cast %reduce_min3A_629 : vector<256xf32> to vector<256x1xf32>
      %eq3A_631 = vector.broadcast %broadcast_in_dim3A_630 : vector<256x1xf32> to vector<256x1000xf32>
      %eq3A_632 = arith.cmpf oeq, %get3A_627, %eq3A_631 : vector<256x1000xf32>
      %jit3A_633 = arith.constant 1.000000e+09 : f32
      %broadcast_in_dim3A_634 = vector.broadcast %jit3A_633 : f32 to vector<256x1000xf32>
      %select_n3A_635 = arith.select %eq3A_632, %convert_element_type3A, %broadcast_in_dim3A_634 : vector<256x1000xi1>, vector<256x1000xf32>
      %reduce_min3A_636 = arith.constant dense<0x7F800000> : vector<256xf32>
      %reduce_min3A_637 = vector.multi_reduction <minimumf>, %select_n3A_635, %reduce_min3A_636 [1] : vector<256x1000xf32> to vector<256xf32>
      %broadcast_in_dim3A_638 = vector.shape_cast %reduce_min3A_637 : vector<256xf32> to vector<256x1xf32>
      %convert_element_type3A_639 = arith.fptosi %broadcast_in_dim3A_638 : vector<256x1xf32> to vector<256x1xi32>
      %add3A_640 = vector.broadcast %mul3A_19 : i32 to vector<256x1xi32>
      %add3A_641 = arith.addi %add3A_640, %convert_element_type3A_639 : vector<256x1xi32>
      %eq3A_642 = vector.broadcast %broadcast_in_dim3A_638 : vector<256x1xf32> to vector<256x1000xf32>
      %eq3A_643 = arith.cmpf oeq, %convert_element_type3A, %eq3A_642 : vector<256x1000xf32>
      %jit3A_644 = arith.constant 0x7F800000 : f32
      %broadcast_in_dim3A_645 = vector.broadcast %jit3A_644 : f32 to vector<256x1000xf32>
      %select_n3A_646 = arith.select %eq3A_643, %broadcast_in_dim3A_645, %get3A_627 : vector<256x1000xi1>, vector<256x1000xf32>
      %swap3A_647 = arith.constant 0 : index
      %swap3A_648 = arith.constant 0 : index
      %swap3A_649 = vector.load %arg7[%swap3A_647, %swap3A_648] : memref<256x1000xf32, #tpu.memory_space<vmem>>, vector<256x1000xf32>
      tpu.vector_store %arg7[%swap3A_647, %swap3A_648], %select_n3A_646 {strides = array<i32>} : memref<256x1000xf32, #tpu.memory_space<vmem>>, vector<256x1000xf32>,
      %get3A_650 = arith.constant 0 : index
      %get3A_651 = arith.constant 0 : index
      %get3A_652 = vector.load %arg7[%get3A_650, %get3A_651] : memref<256x1000xf32, #tpu.memory_space<vmem>>, vector<256x1000xf32>
      %reduce_min3A_653 = arith.constant dense<0x7F800000> : vector<256xf32>
      %reduce_min3A_654 = vector.multi_reduction <minimumf>, %get3A_652, %reduce_min3A_653 [1] : vector<256x1000xf32> to vector<256xf32>
      %broadcast_in_dim3A_655 = vector.shape_cast %reduce_min3A_654 : vector<256xf32> to vector<256x1xf32>
      %eq3A_656 = vector.broadcast %broadcast_in_dim3A_655 : vector<256x1xf32> to vector<256x1000xf32>
      %eq3A_657 = arith.cmpf oeq, %get3A_652, %eq3A_656 : vector<256x1000xf32>
      %jit3A_658 = arith.constant 1.000000e+09 : f32
      %broadcast_in_dim3A_659 = vector.broadcast %jit3A_658 : f32 to vector<256x1000xf32>
      %select_n3A_660 = arith.select %eq3A_657, %convert_element_type3A, %broadcast_in_dim3A_659 : vector<256x1000xi1>, vector<256x1000xf32>
      %reduce_min3A_661 = arith.constant dense<0x7F800000> : vector<256xf32>
      %reduce_min3A_662 = vector.multi_reduction <minimumf>, %select_n3A_660, %reduce_min3A_661 [1] : vector<256x1000xf32> to vector<256xf32>
      %broadcast_in_dim3A_663 = vector.shape_cast %reduce_min3A_662 : vector<256xf32> to vector<256x1xf32>
      %convert_element_type3A_664 = arith.fptosi %broadcast_in_dim3A_663 : vector<256x1xf32> to vector<256x1xi32>
      %add3A_665 = vector.broadcast %mul3A_19 : i32 to vector<256x1xi32>
      %add3A_666 = arith.addi %add3A_665, %convert_element_type3A_664 : vector<256x1xi32>
      %eq3A_667 = vector.broadcast %broadcast_in_dim3A_663 : vector<256x1xf32> to vector<256x1000xf32>
      %eq3A_668 = arith.cmpf oeq, %convert_element_type3A, %eq3A_667 : vector<256x1000xf32>
      %jit3A_669 = arith.constant 0x7F800000 : f32
      %broadcast_in_dim3A_670 = vector.broadcast %jit3A_669 : f32 to vector<256x1000xf32>
      %select_n3A_671 = arith.select %eq3A_668, %broadcast_in_dim3A_670, %get3A_652 : vector<256x1000xi1>, vector<256x1000xf32>
      %swap3A_672 = arith.constant 0 : index
      %swap3A_673 = arith.constant 0 : index
      %swap3A_674 = vector.load %arg7[%swap3A_672, %swap3A_673] : memref<256x1000xf32, #tpu.memory_space<vmem>>, vector<256x1000xf32>
      tpu.vector_store %arg7[%swap3A_672, %swap3A_673], %select_n3A_671 {strides = array<i32>} : memref<256x1000xf32, #tpu.memory_space<vmem>>, vector<256x1000xf32>,
      %get3A_675 = arith.constant 0 : index
      %get3A_676 = arith.constant 0 : index
      %get3A_677 = vector.load %arg7[%get3A_675, %get3A_676] : memref<256x1000xf32, #tpu.memory_space<vmem>>, vector<256x1000xf32>
      %reduce_min3A_678 = arith.constant dense<0x7F800000> : vector<256xf32>
      %reduce_min3A_679 = vector.multi_reduction <minimumf>, %get3A_677, %reduce_min3A_678 [1] : vector<256x1000xf32> to vector<256xf32>
      %broadcast_in_dim3A_680 = vector.shape_cast %reduce_min3A_679 : vector<256xf32> to vector<256x1xf32>
      %eq3A_681 = vector.broadcast %broadcast_in_dim3A_680 : vector<256x1xf32> to vector<256x1000xf32>
      %eq3A_682 = arith.cmpf oeq, %get3A_677, %eq3A_681 : vector<256x1000xf32>
      %jit3A_683 = arith.constant 1.000000e+09 : f32
      %broadcast_in_dim3A_684 = vector.broadcast %jit3A_683 : f32 to vector<256x1000xf32>
      %select_n3A_685 = arith.select %eq3A_682, %convert_element_type3A, %broadcast_in_dim3A_684 : vector<256x1000xi1>, vector<256x1000xf32>
      %reduce_min3A_686 = arith.constant dense<0x7F800000> : vector<256xf32>
      %reduce_min3A_687 = vector.multi_reduction <minimumf>, %select_n3A_685, %reduce_min3A_686 [1] : vector<256x1000xf32> to vector<256xf32>
      %broadcast_in_dim3A_688 = vector.shape_cast %reduce_min3A_687 : vector<256xf32> to vector<256x1xf32>
      %convert_element_type3A_689 = arith.fptosi %broadcast_in_dim3A_688 : vector<256x1xf32> to vector<256x1xi32>
      %add3A_690 = vector.broadcast %mul3A_19 : i32 to vector<256x1xi32>
      %add3A_691 = arith.addi %add3A_690, %convert_element_type3A_689 : vector<256x1xi32>
      %eq3A_692 = vector.broadcast %broadcast_in_dim3A_688 : vector<256x1xf32> to vector<256x1000xf32>
      %eq3A_693 = arith.cmpf oeq, %convert_element_type3A, %eq3A_692 : vector<256x1000xf32>
      %jit3A_694 = arith.constant 0x7F800000 : f32
      %broadcast_in_dim3A_695 = vector.broadcast %jit3A_694 : f32 to vector<256x1000xf32>
      %select_n3A_696 = arith.select %eq3A_693, %broadcast_in_dim3A_695, %get3A_677 : vector<256x1000xi1>, vector<256x1000xf32>
      %swap3A_697 = arith.constant 0 : index
      %swap3A_698 = arith.constant 0 : index
      %swap3A_699 = vector.load %arg7[%swap3A_697, %swap3A_698] : memref<256x1000xf32, #tpu.memory_space<vmem>>, vector<256x1000xf32>
      tpu.vector_store %arg7[%swap3A_697, %swap3A_698], %select_n3A_696 {strides = array<i32>} : memref<256x1000xf32, #tpu.memory_space<vmem>>, vector<256x1000xf32>,
      %get3A_700 = arith.constant 0 : index
      %get3A_701 = arith.constant 0 : index
      %get3A_702 = vector.load %arg7[%get3A_700, %get3A_701] : memref<256x1000xf32, #tpu.memory_space<vmem>>, vector<256x1000xf32>
      %reduce_min3A_703 = arith.constant dense<0x7F800000> : vector<256xf32>
      %reduce_min3A_704 = vector.multi_reduction <minimumf>, %get3A_702, %reduce_min3A_703 [1] : vector<256x1000xf32> to vector<256xf32>
      %broadcast_in_dim3A_705 = vector.shape_cast %reduce_min3A_704 : vector<256xf32> to vector<256x1xf32>
      %eq3A_706 = vector.broadcast %broadcast_in_dim3A_705 : vector<256x1xf32> to vector<256x1000xf32>
      %eq3A_707 = arith.cmpf oeq, %get3A_702, %eq3A_706 : vector<256x1000xf32>
      %jit3A_708 = arith.constant 1.000000e+09 : f32
      %broadcast_in_dim3A_709 = vector.broadcast %jit3A_708 : f32 to vector<256x1000xf32>
      %select_n3A_710 = arith.select %eq3A_707, %convert_element_type3A, %broadcast_in_dim3A_709 : vector<256x1000xi1>, vector<256x1000xf32>
      %reduce_min3A_711 = arith.constant dense<0x7F800000> : vector<256xf32>
      %reduce_min3A_712 = vector.multi_reduction <minimumf>, %select_n3A_710, %reduce_min3A_711 [1] : vector<256x1000xf32> to vector<256xf32>
      %broadcast_in_dim3A_713 = vector.shape_cast %reduce_min3A_712 : vector<256xf32> to vector<256x1xf32>
      %convert_element_type3A_714 = arith.fptosi %broadcast_in_dim3A_713 : vector<256x1xf32> to vector<256x1xi32>
      %add3A_715 = vector.broadcast %mul3A_19 : i32 to vector<256x1xi32>
      %add3A_716 = arith.addi %add3A_715, %convert_element_type3A_714 : vector<256x1xi32>
      %eq3A_717 = vector.broadcast %broadcast_in_dim3A_713 : vector<256x1xf32> to vector<256x1000xf32>
      %eq3A_718 = arith.cmpf oeq, %convert_element_type3A, %eq3A_717 : vector<256x1000xf32>
      %jit3A_719 = arith.constant 0x7F800000 : f32
      %broadcast_in_dim3A_720 = vector.broadcast %jit3A_719 : f32 to vector<256x1000xf32>
      %select_n3A_721 = arith.select %eq3A_718, %broadcast_in_dim3A_720, %get3A_702 : vector<256x1000xi1>, vector<256x1000xf32>
      %swap3A_722 = arith.constant 0 : index
      %swap3A_723 = arith.constant 0 : index
      %swap3A_724 = vector.load %arg7[%swap3A_722, %swap3A_723] : memref<256x1000xf32, #tpu.memory_space<vmem>>, vector<256x1000xf32>
      tpu.vector_store %arg7[%swap3A_722, %swap3A_723], %select_n3A_721 {strides = array<i32>} : memref<256x1000xf32, #tpu.memory_space<vmem>>, vector<256x1000xf32>,
      %get3A_725 = arith.constant 0 : index
      %get3A_726 = arith.constant 0 : index
      %get3A_727 = vector.load %arg7[%get3A_725, %get3A_726] : memref<256x1000xf32, #tpu.memory_space<vmem>>, vector<256x1000xf32>
      %reduce_min3A_728 = arith.constant dense<0x7F800000> : vector<256xf32>
      %reduce_min3A_729 = vector.multi_reduction <minimumf>, %get3A_727, %reduce_min3A_728 [1] : vector<256x1000xf32> to vector<256xf32>
      %broadcast_in_dim3A_730 = vector.shape_cast %reduce_min3A_729 : vector<256xf32> to vector<256x1xf32>
      %eq3A_731 = vector.broadcast %broadcast_in_dim3A_730 : vector<256x1xf32> to vector<256x1000xf32>
      %eq3A_732 = arith.cmpf oeq, %get3A_727, %eq3A_731 : vector<256x1000xf32>
      %jit3A_733 = arith.constant 1.000000e+09 : f32
      %broadcast_in_dim3A_734 = vector.broadcast %jit3A_733 : f32 to vector<256x1000xf32>
      %select_n3A_735 = arith.select %eq3A_732, %convert_element_type3A, %broadcast_in_dim3A_734 : vector<256x1000xi1>, vector<256x1000xf32>
      %reduce_min3A_736 = arith.constant dense<0x7F800000> : vector<256xf32>
      %reduce_min3A_737 = vector.multi_reduction <minimumf>, %select_n3A_735, %reduce_min3A_736 [1] : vector<256x1000xf32> to vector<256xf32>
      %broadcast_in_dim3A_738 = vector.shape_cast %reduce_min3A_737 : vector<256xf32> to vector<256x1xf32>
      %convert_element_type3A_739 = arith.fptosi %broadcast_in_dim3A_738 : vector<256x1xf32> to vector<256x1xi32>
      %add3A_740 = vector.broadcast %mul3A_19 : i32 to vector<256x1xi32>
      %add3A_741 = arith.addi %add3A_740, %convert_element_type3A_739 : vector<256x1xi32>
      %eq3A_742 = vector.broadcast %broadcast_in_dim3A_738 : vector<256x1xf32> to vector<256x1000xf32>
      %eq3A_743 = arith.cmpf oeq, %convert_element_type3A, %eq3A_742 : vector<256x1000xf32>
      %jit3A_744 = arith.constant 0x7F800000 : f32
      %broadcast_in_dim3A_745 = vector.broadcast %jit3A_744 : f32 to vector<256x1000xf32>
      %select_n3A_746 = arith.select %eq3A_743, %broadcast_in_dim3A_745, %get3A_727 : vector<256x1000xi1>, vector<256x1000xf32>
      %swap3A_747 = arith.constant 0 : index
      %swap3A_748 = arith.constant 0 : index
      %swap3A_749 = vector.load %arg7[%swap3A_747, %swap3A_748] : memref<256x1000xf32, #tpu.memory_space<vmem>>, vector<256x1000xf32>
      tpu.vector_store %arg7[%swap3A_747, %swap3A_748], %select_n3A_746 {strides = array<i32>} : memref<256x1000xf32, #tpu.memory_space<vmem>>, vector<256x1000xf32>,
      %get3A_750 = arith.constant 0 : index
      %get3A_751 = arith.constant 0 : index
      %get3A_752 = vector.load %arg7[%get3A_750, %get3A_751] : memref<256x1000xf32, #tpu.memory_space<vmem>>, vector<256x1000xf32>
      %reduce_min3A_753 = arith.constant dense<0x7F800000> : vector<256xf32>
      %reduce_min3A_754 = vector.multi_reduction <minimumf>, %get3A_752, %reduce_min3A_753 [1] : vector<256x1000xf32> to vector<256xf32>
      %broadcast_in_dim3A_755 = vector.shape_cast %reduce_min3A_754 : vector<256xf32> to vector<256x1xf32>
      %eq3A_756 = vector.broadcast %broadcast_in_dim3A_755 : vector<256x1xf32> to vector<256x1000xf32>
      %eq3A_757 = arith.cmpf oeq, %get3A_752, %eq3A_756 : vector<256x1000xf32>
      %jit3A_758 = arith.constant 1.000000e+09 : f32
      %broadcast_in_dim3A_759 = vector.broadcast %jit3A_758 : f32 to vector<256x1000xf32>
      %select_n3A_760 = arith.select %eq3A_757, %convert_element_type3A, %broadcast_in_dim3A_759 : vector<256x1000xi1>, vector<256x1000xf32>
      %reduce_min3A_761 = arith.constant dense<0x7F800000> : vector<256xf32>
      %reduce_min3A_762 = vector.multi_reduction <minimumf>, %select_n3A_760, %reduce_min3A_761 [1] : vector<256x1000xf32> to vector<256xf32>
      %broadcast_in_dim3A_763 = vector.shape_cast %reduce_min3A_762 : vector<256xf32> to vector<256x1xf32>
      %convert_element_type3A_764 = arith.fptosi %broadcast_in_dim3A_763 : vector<256x1xf32> to vector<256x1xi32>
      %add3A_765 = vector.broadcast %mul3A_19 : i32 to vector<256x1xi32>
      %add3A_766 = arith.addi %add3A_765, %convert_element_type3A_764 : vector<256x1xi32>
      %eq3A_767 = vector.broadcast %broadcast_in_dim3A_763 : vector<256x1xf32> to vector<256x1000xf32>
      %eq3A_768 = arith.cmpf oeq, %convert_element_type3A, %eq3A_767 : vector<256x1000xf32>
      %jit3A_769 = arith.constant 0x7F800000 : f32
      %broadcast_in_dim3A_770 = vector.broadcast %jit3A_769 : f32 to vector<256x1000xf32>
      %select_n3A_771 = arith.select %eq3A_768, %broadcast_in_dim3A_770, %get3A_752 : vector<256x1000xi1>, vector<256x1000xf32>
      %swap3A_772 = arith.constant 0 : index
      %swap3A_773 = arith.constant 0 : index
      %swap3A_774 = vector.load %arg7[%swap3A_772, %swap3A_773] : memref<256x1000xf32, #tpu.memory_space<vmem>>, vector<256x1000xf32>
      tpu.vector_store %arg7[%swap3A_772, %swap3A_773], %select_n3A_771 {strides = array<i32>} : memref<256x1000xf32, #tpu.memory_space<vmem>>, vector<256x1000xf32>,
      %get3A_775 = arith.constant 0 : index
      %get3A_776 = arith.constant 0 : index
      %get3A_777 = vector.load %arg7[%get3A_775, %get3A_776] : memref<256x1000xf32, #tpu.memory_space<vmem>>, vector<256x1000xf32>
      %reduce_min3A_778 = arith.constant dense<0x7F800000> : vector<256xf32>
      %reduce_min3A_779 = vector.multi_reduction <minimumf>, %get3A_777, %reduce_min3A_778 [1] : vector<256x1000xf32> to vector<256xf32>
      %broadcast_in_dim3A_780 = vector.shape_cast %reduce_min3A_779 : vector<256xf32> to vector<256x1xf32>
      %eq3A_781 = vector.broadcast %broadcast_in_dim3A_780 : vector<256x1xf32> to vector<256x1000xf32>
      %eq3A_782 = arith.cmpf oeq, %get3A_777, %eq3A_781 : vector<256x1000xf32>
      %jit3A_783 = arith.constant 1.000000e+09 : f32
      %broadcast_in_dim3A_784 = vector.broadcast %jit3A_783 : f32 to vector<256x1000xf32>
      %select_n3A_785 = arith.select %eq3A_782, %convert_element_type3A, %broadcast_in_dim3A_784 : vector<256x1000xi1>, vector<256x1000xf32>
      %reduce_min3A_786 = arith.constant dense<0x7F800000> : vector<256xf32>
      %reduce_min3A_787 = vector.multi_reduction <minimumf>, %select_n3A_785, %reduce_min3A_786 [1] : vector<256x1000xf32> to vector<256xf32>
      %broadcast_in_dim3A_788 = vector.shape_cast %reduce_min3A_787 : vector<256xf32> to vector<256x1xf32>
      %convert_element_type3A_789 = arith.fptosi %broadcast_in_dim3A_788 : vector<256x1xf32> to vector<256x1xi32>
      %add3A_790 = vector.broadcast %mul3A_19 : i32 to vector<256x1xi32>
      %add3A_791 = arith.addi %add3A_790, %convert_element_type3A_789 : vector<256x1xi32>
      %eq3A_792 = vector.broadcast %broadcast_in_dim3A_788 : vector<256x1xf32> to vector<256x1000xf32>
      %eq3A_793 = arith.cmpf oeq, %convert_element_type3A, %eq3A_792 : vector<256x1000xf32>
      %jit3A_794 = arith.constant 0x7F800000 : f32
      %broadcast_in_dim3A_795 = vector.broadcast %jit3A_794 : f32 to vector<256x1000xf32>
      %select_n3A_796 = arith.select %eq3A_793, %broadcast_in_dim3A_795, %get3A_777 : vector<256x1000xi1>, vector<256x1000xf32>
      %swap3A_797 = arith.constant 0 : index
      %swap3A_798 = arith.constant 0 : index
      %swap3A_799 = vector.load %arg7[%swap3A_797, %swap3A_798] : memref<256x1000xf32, #tpu.memory_space<vmem>>, vector<256x1000xf32>
      tpu.vector_store %arg7[%swap3A_797, %swap3A_798], %select_n3A_796 {strides = array<i32>} : memref<256x1000xf32, #tpu.memory_space<vmem>>, vector<256x1000xf32>,
      %get3A_800 = arith.constant 0 : index
      %get3A_801 = arith.constant 0 : index
      %get3A_802 = vector.load %arg7[%get3A_800, %get3A_801] : memref<256x1000xf32, #tpu.memory_space<vmem>>, vector<256x1000xf32>
      %reduce_min3A_803 = arith.constant dense<0x7F800000> : vector<256xf32>
      %reduce_min3A_804 = vector.multi_reduction <minimumf>, %get3A_802, %reduce_min3A_803 [1] : vector<256x1000xf32> to vector<256xf32>
      %broadcast_in_dim3A_805 = vector.shape_cast %reduce_min3A_804 : vector<256xf32> to vector<256x1xf32>
      %eq3A_806 = vector.broadcast %broadcast_in_dim3A_805 : vector<256x1xf32> to vector<256x1000xf32>
      %eq3A_807 = arith.cmpf oeq, %get3A_802, %eq3A_806 : vector<256x1000xf32>
      %jit3A_808 = arith.constant 1.000000e+09 : f32
      %broadcast_in_dim3A_809 = vector.broadcast %jit3A_808 : f32 to vector<256x1000xf32>
      %select_n3A_810 = arith.select %eq3A_807, %convert_element_type3A, %broadcast_in_dim3A_809 : vector<256x1000xi1>, vector<256x1000xf32>
      %reduce_min3A_811 = arith.constant dense<0x7F800000> : vector<256xf32>
      %reduce_min3A_812 = vector.multi_reduction <minimumf>, %select_n3A_810, %reduce_min3A_811 [1] : vector<256x1000xf32> to vector<256xf32>
      %broadcast_in_dim3A_813 = vector.shape_cast %reduce_min3A_812 : vector<256xf32> to vector<256x1xf32>
      %convert_element_type3A_814 = arith.fptosi %broadcast_in_dim3A_813 : vector<256x1xf32> to vector<256x1xi32>
      %add3A_815 = vector.broadcast %mul3A_19 : i32 to vector<256x1xi32>
      %add3A_816 = arith.addi %add3A_815, %convert_element_type3A_814 : vector<256x1xi32>
      %eq3A_817 = vector.broadcast %broadcast_in_dim3A_813 : vector<256x1xf32> to vector<256x1000xf32>
      %eq3A_818 = arith.cmpf oeq, %convert_element_type3A, %eq3A_817 : vector<256x1000xf32>
      %jit3A_819 = arith.constant 0x7F800000 : f32
      %broadcast_in_dim3A_820 = vector.broadcast %jit3A_819 : f32 to vector<256x1000xf32>
      %select_n3A_821 = arith.select %eq3A_818, %broadcast_in_dim3A_820, %get3A_802 : vector<256x1000xi1>, vector<256x1000xf32>
      %swap3A_822 = arith.constant 0 : index
      %swap3A_823 = arith.constant 0 : index
      %swap3A_824 = vector.load %arg7[%swap3A_822, %swap3A_823] : memref<256x1000xf32, #tpu.memory_space<vmem>>, vector<256x1000xf32>
      tpu.vector_store %arg7[%swap3A_822, %swap3A_823], %select_n3A_821 {strides = array<i32>} : memref<256x1000xf32, #tpu.memory_space<vmem>>, vector<256x1000xf32>,
      %concatenate3A = tpu.concatenate %broadcast_in_dim3A, %broadcast_in_dim3A_55, %broadcast_in_dim3A_80, %broadcast_in_dim3A_105, %broadcast_in_dim3A_130, %broadcast_in_dim3A_155, %broadcast_in_dim3A_180, %broadcast_in_dim3A_205, %broadcast_in_dim3A_230, %broadcast_in_dim3A_255, %broadcast_in_dim3A_280, %broadcast_in_dim3A_305, %broadcast_in_dim3A_330, %broadcast_in_dim3A_355, %broadcast_in_dim3A_380, %broadcast_in_dim3A_405, %broadcast_in_dim3A_430, %broadcast_in_dim3A_455, %broadcast_in_dim3A_480, %broadcast_in_dim3A_505, %broadcast_in_dim3A_530, %broadcast_in_dim3A_555, %broadcast_in_dim3A_580, %broadcast_in_dim3A_605, %broadcast_in_dim3A_630, %broadcast_in_dim3A_655, %broadcast_in_dim3A_680, %broadcast_in_dim3A_705, %broadcast_in_dim3A_730, %broadcast_in_dim3A_755, %broadcast_in_dim3A_780, %broadcast_in_dim3A_805 in 1 : vector<256x1xf32>, vector<256x1xf32>, vector<256x1xf32>, vector<256x1xf32>, vector<256x1xf32>, vector<256x1xf32>, vector<256x1xf32>, vector<256x1xf32>, vector<256x1xf32>, vector<256x1xf32>, vector<256x1xf32>, vector<256x1xf32>, vector<256x1xf32>, vector<256x1xf32>, vector<256x1xf32>, vector<256x1xf32>, vector<256x1xf32>, vector<256x1xf32>, vector<256x1xf32>, vector<256x1xf32>, vector<256x1xf32>, vector<256x1xf32>, vector<256x1xf32>, vector<256x1xf32>, vector<256x1xf32>, vector<256x1xf32>, vector<256x1xf32>, vector<256x1xf32>, vector<256x1xf32>, vector<256x1xf32>, vector<256x1xf32>, vector<256x1xf32> -> vector<256x32xf32>
      %swap3A_825 = arith.constant 0 : index
      %swap3A_826 = arith.constant 0 : index
      %swap3A_827 = vector.load %arg5[%swap3A_825, %swap3A_826] : memref<256x32xf32, #tpu.memory_space<vmem>>, vector<256x32xf32>
      tpu.vector_store %arg5[%swap3A_825, %swap3A_826], %concatenate3A {strides = array<i32>} : memref<256x32xf32, #tpu.memory_space<vmem>>, vector<256x32xf32>,
      %concatenate3A_828 = tpu.concatenate %add3A_41, %add3A_66, %add3A_91, %add3A_116, %add3A_141, %add3A_166, %add3A_191, %add3A_216, %add3A_241, %add3A_266, %add3A_291, %add3A_316, %add3A_341, %add3A_366, %add3A_391, %add3A_416, %add3A_441, %add3A_466, %add3A_491, %add3A_516, %add3A_541, %add3A_566, %add3A_591, %add3A_616, %add3A_641, %add3A_666, %add3A_691, %add3A_716, %add3A_741, %add3A_766, %add3A_791, %add3A_816 in 1 : vector<256x1xi32>, vector<256x1xi32>, vector<256x1xi32>, vector<256x1xi32>, vector<256x1xi32>, vector<256x1xi32>, vector<256x1xi32>, vector<256x1xi32>, vector<256x1xi32>, vector<256x1xi32>, vector<256x1xi32>, vector<256x1xi32>, vector<256x1xi32>, vector<256x1xi32>, vector<256x1xi32>, vector<256x1xi32>, vector<256x1xi32>, vector<256x1xi32>, vector<256x1xi32>, vector<256x1xi32>, vector<256x1xi32>, vector<256x1xi32>, vector<256x1xi32>, vector<256x1xi32>, vector<256x1xi32>, vector<256x1xi32>, vector<256x1xi32>, vector<256x1xi32>, vector<256x1xi32>, vector<256x1xi32>, vector<256x1xi32>, vector<256x1xi32> -> vector<256x32xi32>
      %swap3A_829 = arith.constant 0 : index
      %swap3A_830 = arith.constant 0 : index
      %swap3A_831 = vector.load %arg6[%swap3A_829, %swap3A_830] : memref<256x32xi32, #tpu.memory_space<vmem>>, vector<256x32xi32>
      tpu.vector_store %arg6[%swap3A_829, %swap3A_830], %concatenate3A_828 {strides = array<i32>} : memref<256x32xi32, #tpu.memory_space<vmem>>, vector<256x32xi32>,
    } else {
    }
    %gt3A = arith.constant 0 : i32
    %gt3A_23 = arith.cmpi sgt, %arg0, %gt3A : i32
    %convert_element_type3A_24 = arith.extui %gt3A_23 : i1 to i32
    %cond3A_25 = arith.constant 0 : i32
    %cond3A_26 = arith.cmpi ne, %convert_element_type3A_24, %cond3A_25 : i32
    scf.if %cond3A_26 {
      %get3A_27 = arith.constant 0 : index
      %get3A_28 = arith.constant 31 : index
      %get3A_29 = vector.load %arg5[%get3A_27, %get3A_28] : memref<256x32xf32, #tpu.memory_space<vmem>>, vector<256x1xf32>
      %lt3A = vector.broadcast %get3A_29 : vector<256x1xf32> to vector<256x1000xf32>
      %lt3A_30 = arith.cmpf olt, %add3A_17, %lt3A : vector<256x1000xf32>
      %reduce_or3A = arith.constant 1.000000e+00 : f32
      %reduce_or3A_31 = arith.constant 0.000000e+00 : f32
      %reduce_or3A_32 = vector.broadcast %reduce_or3A : f32 to vector<256x1000xf32>
      %reduce_or3A_33 = vector.broadcast %reduce_or3A_31 : f32 to vector<256x1000xf32>
      %reduce_or3A_34 = arith.select %lt3A_30, %reduce_or3A_32, %reduce_or3A_33 : vector<256x1000xi1>, vector<256x1000xf32>
      %reduce_or3A_35 = vector.shape_cast %reduce_or3A_34 : vector<256x1000xf32> to vector<1x256x1000xf32>
      %reduce_or3A_36 = arith.constant dense<0xFF800000> : vector<1xf32>
      %reduce_or3A_37 = vector.multi_reduction <maximumf>, %reduce_or3A_35, %reduce_or3A_36 [1, 2] : vector<1x256x1000xf32> to vector<1xf32>
      %reduce_or3A_38 = vector.shape_cast %reduce_or3A_37 : vector<1xf32> to vector<1x1x1xf32>
      %reduce_or3A_39 = vector.extract %reduce_or3A_38[0, 0, 0] : f32 from vector<1x1x1xf32>
      %reduce_or3A_40 = arith.constant 0.000000e+00 : f32
      %reduce_or3A_41 = arith.cmpf ogt, %reduce_or3A_39, %reduce_or3A_40 : f32
      %iota3A_42 = tpu.iota {dimensions = array<i32: 1>} : vector<256x32xi32>
      %convert_element_type3A_43 = arith.extui %reduce_or3A_41 : i1 to i32
      %cond3A_44 = arith.constant 0 : i32
      %cond3A_45 = arith.cmpi ne, %convert_element_type3A_43, %cond3A_44 : i32
      scf.if %cond3A_45 {
        %swap3A = arith.constant 0 : index
        %swap3A_46 = arith.constant 0 : index
        %swap3A_47 = vector.load %arg7[%swap3A, %swap3A_46] : memref<256x1000xf32, #tpu.memory_space<vmem>>, vector<256x1000xf32>
        tpu.vector_store %arg7[%swap3A, %swap3A_46], %add3A_17 {strides = array<i32>} : memref<256x1000xf32, #tpu.memory_space<vmem>>, vector<256x1000xf32>,
        %while3A = scf.while (%while3A_48 = %reduce_or3A_41) : (i1) -> i1 {
          scf.condition(%while3A_48) %while3A_48 : i1
        } do {
        ^bb0(%while3A_48: i1):
          %get3A_49 = arith.constant 0 : index
          %get3A_50 = arith.constant 0 : index
          %get3A_51 = vector.load %arg7[%get3A_49, %get3A_50] : memref<256x1000xf32, #tpu.memory_space<vmem>>, vector<256x1000xf32>
          %get3A_52 = arith.constant 0 : index
          %get3A_53 = arith.constant 0 : index
          %get3A_54 = vector.load %arg5[%get3A_52, %get3A_53] : memref<256x32xf32, #tpu.memory_space<vmem>>, vector<256x32xf32>
          %get3A_55 = arith.constant 0 : index
          %get3A_56 = arith.constant 0 : index
          %get3A_57 = vector.load %arg6[%get3A_55, %get3A_56] : memref<256x32xi32, #tpu.memory_space<vmem>>, vector<256x32xi32>
          %reduce_min3A = arith.constant dense<0x7F800000> : vector<256xf32>
          %reduce_min3A_58 = vector.multi_reduction <minimumf>, %get3A_51, %reduce_min3A [1] : vector<256x1000xf32> to vector<256xf32>
          %broadcast_in_dim3A = vector.shape_cast %reduce_min3A_58 : vector<256xf32> to vector<256x1xf32>
          %eq3A_59 = vector.broadcast %broadcast_in_dim3A : vector<256x1xf32> to vector<256x1000xf32>
          %eq3A_60 = arith.cmpf oeq, %get3A_51, %eq3A_59 : vector<256x1000xf32>
          %jit3A = arith.constant 1.000000e+09 : f32
          %broadcast_in_dim3A_61 = vector.broadcast %jit3A : f32 to vector<256x1000xf32>
          %select_n3A = arith.select %eq3A_60, %convert_element_type3A, %broadcast_in_dim3A_61 : vector<256x1000xi1>, vector<256x1000xf32>
          %reduce_min3A_62 = arith.constant dense<0x7F800000> : vector<256xf32>
          %reduce_min3A_63 = vector.multi_reduction <minimumf>, %select_n3A, %reduce_min3A_62 [1] : vector<256x1000xf32> to vector<256xf32>
          %broadcast_in_dim3A_64 = vector.shape_cast %reduce_min3A_63 : vector<256xf32> to vector<256x1xf32>
          %convert_element_type3A_65 = arith.fptosi %broadcast_in_dim3A_64 : vector<256x1xf32> to vector<256x1xi32>
          %add3A_66 = vector.broadcast %mul3A_19 : i32 to vector<256x1xi32>
          %add3A_67 = arith.addi %add3A_66, %convert_element_type3A_65 : vector<256x1xi32>
          %eq3A_68 = vector.broadcast %broadcast_in_dim3A_64 : vector<256x1xf32> to vector<256x1000xf32>
          %eq3A_69 = arith.cmpf oeq, %convert_element_type3A, %eq3A_68 : vector<256x1000xf32>
          %jit3A_70 = arith.constant 0x7F800000 : f32
          %broadcast_in_dim3A_71 = vector.broadcast %jit3A_70 : f32 to vector<256x1000xf32>
          %select_n3A_72 = arith.select %eq3A_69, %broadcast_in_dim3A_71, %get3A_51 : vector<256x1000xi1>, vector<256x1000xf32>
          %swap3A_73 = arith.constant 0 : index
          %swap3A_74 = arith.constant 0 : index
          %swap3A_75 = vector.load %arg7[%swap3A_73, %swap3A_74] : memref<256x1000xf32, #tpu.memory_space<vmem>>, vector<256x1000xf32>
          tpu.vector_store %arg7[%swap3A_73, %swap3A_74], %select_n3A_72 {strides = array<i32>} : memref<256x1000xf32, #tpu.memory_space<vmem>>, vector<256x1000xf32>,
          %slice3A = vector.extract_strided_slice %get3A_54 {offsets = [0, 31], sizes = [256, 1], strides = [1, 1]} : vector<256x32xf32> to vector<256x1xf32>
          %lt3A_76 = arith.cmpf olt, %broadcast_in_dim3A, %slice3A : vector<256x1xf32>
          %le3A = vector.broadcast %broadcast_in_dim3A : vector<256x1xf32> to vector<256x32xf32>
          %le3A_77 = arith.cmpf ole, %get3A_54, %le3A : vector<256x32xf32>
          %convert_element_type3A_78 = arith.extui %le3A_77 : vector<256x32xi1> to vector<256x32xi32>
          %reduce_sum3A = arith.constant dense<0> : vector<256xi32>
          %reduce_sum3A_79 = vector.multi_reduction <add>, %convert_element_type3A_78, %reduce_sum3A [1] : vector<256x32xi32> to vector<256xi32>
          %broadcast_in_dim3A_80 = vector.shape_cast %reduce_sum3A_79 : vector<256xi32> to vector<256x1xi32>
          %slice3A_81 = vector.extract_strided_slice %get3A_54 {offsets = [0, 31], sizes = [256, 1], strides = [1, 1]} : vector<256x32xf32> to vector<256x1xf32>
          %slice3A_82 = vector.extract_strided_slice %get3A_54 {offsets = [0, 0], sizes = [256, 31], strides = [1, 1]} : vector<256x32xf32> to vector<256x31xf32>
          %concatenate3A = tpu.concatenate %slice3A_81, %slice3A_82 in 1 : vector<256x1xf32>, vector<256x31xf32> -> vector<256x32xf32>
          %slice3A_83 = vector.extract_strided_slice %get3A_57 {offsets = [0, 31], sizes = [256, 1], strides = [1, 1]} : vector<256x32xi32> to vector<256x1xi32>
          %slice3A_84 = vector.extract_strided_slice %get3A_57 {offsets = [0, 0], sizes = [256, 31], strides = [1, 1]} : vector<256x32xi32> to vector<256x31xi32>
          %concatenate3A_85 = tpu.concatenate %slice3A_83, %slice3A_84 in 1 : vector<256x1xi32>, vector<256x31xi32> -> vector<256x32xi32>
          %lt3A_86 = vector.broadcast %broadcast_in_dim3A_80 : vector<256x1xi32> to vector<256x32xi32>
          %lt3A_87 = arith.cmpi slt, %iota3A_42, %lt3A_86 : vector<256x32xi32>
          %eq3A_88 = vector.broadcast %broadcast_in_dim3A_80 : vector<256x1xi32> to vector<256x32xi32>
          %eq3A_89 = arith.cmpi eq, %iota3A_42, %eq3A_88 : vector<256x32xi32>
          %broadcast_in_dim3A_90 = vector.shape_cast %broadcast_in_dim3A : vector<256x1xf32> to vector<256x1xf32>
          %broadcast_in_dim3A_91 = vector.broadcast %broadcast_in_dim3A_90 : vector<256x1xf32> to vector<256x32xf32>
          %select_n3A_92 = arith.select %eq3A_89, %broadcast_in_dim3A_91, %concatenate3A : vector<256x32xi1>, vector<256x32xf32>
          %select_n3A_93 = arith.select %lt3A_87, %get3A_54, %select_n3A_92 : vector<256x32xi1>, vector<256x32xf32>
          %lt3A_94 = vector.broadcast %broadcast_in_dim3A_80 : vector<256x1xi32> to vector<256x32xi32>
          %lt3A_95 = arith.cmpi slt, %iota3A_42, %lt3A_94 : vector<256x32xi32>
          %eq3A_96 = vector.broadcast %broadcast_in_dim3A_80 : vector<256x1xi32> to vector<256x32xi32>
          %eq3A_97 = arith.cmpi eq, %iota3A_42, %eq3A_96 : vector<256x32xi32>
          %broadcast_in_dim3A_98 = vector.shape_cast %add3A_67 : vector<256x1xi32> to vector<256x1xi32>
          %broadcast_in_dim3A_99 = vector.broadcast %broadcast_in_dim3A_98 : vector<256x1xi32> to vector<256x32xi32>
          %select_n3A_100 = arith.select %eq3A_97, %broadcast_in_dim3A_99, %concatenate3A_85 : vector<256x32xi1>, vector<256x32xi32>
          %select_n3A_101 = arith.select %lt3A_95, %get3A_57, %select_n3A_100 : vector<256x32xi1>, vector<256x32xi32>
          %broadcast_in_dim3A_102 = vector.shape_cast %lt3A_76 : vector<256x1xi1> to vector<256x1xi1>
          %broadcast_in_dim3A_103 = vector.broadcast %broadcast_in_dim3A_102 : vector<256x1xi1> to vector<256x32xi1>
          %select_n3A_104 = arith.select %broadcast_in_dim3A_103, %select_n3A_93, %get3A_54 : vector<256x32xi1>, vector<256x32xf32>
          %swap3A_105 = arith.constant 0 : index
          %swap3A_106 = arith.constant 0 : index
          %swap3A_107 = vector.load %arg5[%swap3A_105, %swap3A_106] : memref<256x32xf32, #tpu.memory_space<vmem>>, vector<256x32xf32>
          tpu.vector_store %arg5[%swap3A_105, %swap3A_106], %select_n3A_104 {strides = array<i32>} : memref<256x32xf32, #tpu.memory_space<vmem>>, vector<256x32xf32>,
          %broadcast_in_dim3A_108 = vector.shape_cast %lt3A_76 : vector<256x1xi1> to vector<256x1xi1>
          %broadcast_in_dim3A_109 = vector.broadcast %broadcast_in_dim3A_108 : vector<256x1xi1> to vector<256x32xi1>
          %select_n3A_110 = arith.select %broadcast_in_dim3A_109, %select_n3A_101, %get3A_57 : vector<256x32xi1>, vector<256x32xi32>
          %swap3A_111 = arith.constant 0 : index
          %swap3A_112 = arith.constant 0 : index
          %swap3A_113 = vector.load %arg6[%swap3A_111, %swap3A_112] : memref<256x32xi32, #tpu.memory_space<vmem>>, vector<256x32xi32>
          tpu.vector_store %arg6[%swap3A_111, %swap3A_112], %select_n3A_110 {strides = array<i32>} : memref<256x32xi32, #tpu.memory_space<vmem>>, vector<256x32xi32>,
          %reduce_or3A_114 = arith.constant 1.000000e+00 : f32
          %reduce_or3A_115 = arith.constant 0.000000e+00 : f32
          %reduce_or3A_116 = vector.broadcast %reduce_or3A_114 : f32 to vector<256x1xf32>
          %reduce_or3A_117 = vector.broadcast %reduce_or3A_115 : f32 to vector<256x1xf32>
          %reduce_or3A_118 = arith.select %lt3A_76, %reduce_or3A_116, %reduce_or3A_117 : vector<256x1xi1>, vector<256x1xf32>
          %reduce_or3A_119 = vector.shape_cast %reduce_or3A_118 : vector<256x1xf32> to vector<1x256x1xf32>
          %reduce_or3A_120 = arith.constant dense<0xFF800000> : vector<1xf32>
          %reduce_or3A_121 = vector.multi_reduction <maximumf>, %reduce_or3A_119, %reduce_or3A_120 [1, 2] : vector<1x256x1xf32> to vector<1xf32>
          %reduce_or3A_122 = vector.shape_cast %reduce_or3A_121 : vector<1xf32> to vector<1x1x1xf32>
          %reduce_or3A_123 = vector.extract %reduce_or3A_122[0, 0, 0] : f32 from vector<1x1x1xf32>
          %reduce_or3A_124 = arith.constant 0.000000e+00 : f32
          %reduce_or3A_125 = arith.cmpf ogt, %reduce_or3A_123, %reduce_or3A_124 : f32
          scf.yield %reduce_or3A_125 : i1
        }
      } else {
      }
    } else {
    }
    return
  }
  func.func @transform_0(%arg0: i32) -> (i32, i32) {
    %c0_i32 = arith.constant 0 : i32
    %c0_i32_0 = arith.constant 0 : i32
    %c0_i32_1 = arith.constant 0 : i32
    return %c0_i32, %c0_i32_0 : i32, i32
  }
  func.func @transform_1(%arg0: i32) -> (i32, i32) {
    %c0_i32 = arith.constant 0 : i32
    %c0_i32_0 = arith.constant 0 : i32
    %c0_i32_1 = arith.constant 0 : i32
    return %c0_i32, %c0_i32_0 : i32, i32
  }
  func.func @transform_2(%arg0: i32) -> (i32, i32) {
    %c0_i32 = arith.constant 0 : i32
    %c0_i32_0 = arith.constant 0 : i32
    return %arg0, %c0_i32 : i32, i32
  }
  func.func @transform_3(%arg0: i32) -> (i32, i32, i32) {
    %c0_i32 = arith.constant 0 : i32
    %c0_i32_0 = arith.constant 0 : i32
    %c0_i32_1 = arith.constant 0 : i32
    return %arg0, %c0_i32, %c0_i32_0 : i32, i32, i32
  }
  func.func @transform_4(%arg0: i32) -> (i32, i32) {
    %c0_i32 = arith.constant 0 : i32
    %c0_i32_0 = arith.constant 0 : i32
    %c0_i32_1 = arith.constant 0 : i32
    return %c0_i32, %c0_i32_0 : i32, i32
  }
  func.func @transform_5(%arg0: i32) -> (i32, i32) {
    %c0_i32 = arith.constant 0 : i32
    %c0_i32_0 = arith.constant 0 : i32
    %c0_i32_1 = arith.constant 0 : i32
    return %c0_i32, %c0_i32_0 : i32, i32
  }
}

</mosaic_0001>

<sc_bundles>
// kernel: gather_offload_async_start.1
scs
__scs_entry_jumppad:
0x0: {  	(pc) =	sbr.rel $0x88, $3  }
0x1: {  	(tag) =	ssettag $0x0;
	lr =	simm.s32 $0x1  }
0x2: {  	[smem:$0x3F9A] =	sst lr;
	_ =	strace $0xD0000000  }
0x3: {  	_ = 	snop  }
0x4: {  	_ = 	snop  }
0x5: {  	_ = 	snop  }
0x6: {  	_ = 	snop  }
0x7: {  	_ = 	snop  }
__scs_overlays_trampoline_lowered:
0x8: {  	[smem:$0x3FA9] =	sst s0  }
0x9: {  	[smem:$0x3FAA] =	sst s1  }
0xa: {  	[smem:$0x3FAB] =	sst s2  }
0xb: {  	[smem:$0x3FAC] =	sst s3  }
0xc: {  	[smem:$0x3FAD] =	sst s4  }
0xd: {  	[smem:$0x3FAE] =	sst s5  }
0xe: {  	[smem:$0x3FAF] =	sst s6  }
0xf: {  	[smem:$0x3FB0] =	sst s7  }
0x10: {  	[smem:$0x3FB1] =	sst s8  }
0x11: {  	[smem:$0x3FB2] =	sst s9;
	s0 =	simm.s32 @!p0 $0x0  }
0x12: {  	s1 =	sld [smem:$0x3F98];
	s0 =	simm.s32 @p0 $0x1  }
0x13: {  	[smem:$0x3FB3] =	sst s0;
	s0 =	simm.s32 @!p1 $0x0  }
0x14: {  	s2 =	sld [smem:$0x3F97];
	s0 =	simm.s32 @p1 $0x1  }
0x15: {  	[smem:$0x3FB4] =	sst s0;
	s0 =	simm.s32 @!p2 $0x0  }
0x16: {  	s3 =	sld [smem:$0x3FDB];
	s0 =	simm.s32 @p2 $0x1  }
0x17: {  	s4 =	simm.s32 $0x1BF5;
	[smem:$0x3FB6] =	sst s0  }
0x18: {  	s0 =	sld [smem:$0x3F99];
	_ =	swait.ge [sflag:s4], $0x0  }
0x19: {  	s7 =	sld [smem:$0x3F9A]  }
0x1a: {  	s8 =	sadd.s32 $0xFFFFE003, lr  }
0x1b: {  	s9 =	sadd.s32 $0xFFFFFEF7, lr;
	s5 =	simm.s32 $0xFFFFFFFF;
	p2 =	slt.u32 s8, $0xFFFFF086  }
0x1c: {  	p1 =	slt.u32 s9, $0xF7A;
	s5 =	simm.s32 @!p2 $0x0  }
0x1d: {  	s5 =	simm.s32 @p1 $0x1;
	p0 =	seq.s32 s7, s2  }
0x1e: {  	s7 =	smul.u32 @!p0 $0xF7A, s2;
	p2 =	seq.s32 @!p0 s5, $0x0  }
0x1f: {  	s9 =	smul.u32 $0xF7A, s1;
	s8 =	simm.s32 @!p0 $0x1BF5;
	p2 =	por !p2, p0  }
0x20: {  	[sflag:s8] =	ssyncset.s32 @!p0 $0xFFFFF086;
	s6 =	sadd.s32 @!p0 s3, s7;
	s7 =	simm.s32 @!p0 $0x108  }
0x21: {  	s3 =	sadd.s32 s3, s9;
	s6 =	sadd.s32 @!p0 $0x88, s6;
	s7 =	simm.s32 @p2 $0x1082  }
0x22: {  	[simem:s7], [sflag:s8] =	dma.local @!p0 [hbm:s6], $0xF7A  }
0x23: {  	s9 =	sor.u32 $0xD0000000, s2;
	s6 =	simm.s32 $0x108;
	_ =	swait.ge @!p0 [sflag:s8], $0x0  }
0x24: {  	s3 =	sadd.s32 $0x88, s3;
	s6 =	simm.s32 @!p1 $0x1082;
	[sflag:s4] =	ssyncset.s32 $0xFFFFF086  }
0x25: {  	[simem:s6], [sflag:s4] =	dma.local [hbm:s3], $0xF7A  }
0x26: {  	[smem:$0x3F9A] =	sst s1;
	(tag) =	ssettag s2;
	_ =	strace s9  }
0x27: {  	s1 =	sld [smem:$0x3FAA]  }
0x28: {  	s2 =	sld [smem:$0x3FAB]  }
0x29: {  	s4 =	sld [smem:$0x3FAD]  }
0x2a: {  	p0 =	seq.s32 s5, $0x0;
	s5 =	sld [smem:$0x3FAE]  }
0x2b: {  	s6 =	sld [smem:$0x3FAF]  }
0x2c: {  	s7 =	sld [smem:$0x3FB0]  }
0x2d: {  	s3 =	simm.s32 $0x108;
	s8 =	sld [smem:$0x3FB1]  }
0x2e: {  	s3 =	simm.s32 @!p0 $0x1082;
	s9 =	sld [smem:$0x3FB2]  }
0x2f: {  	lr =	sadd.s32 s0, s3;
	s0 =	sld [smem:$0x3FA9]  }
0x30: {  	s3 =	sld [smem:$0x3FAC]  }
0x31: {  	[smem:$0x3FB5] =	sst s10  }
0x32: {  	s10 =	sld [smem:$0x3FB3];
	_ =	sdelay $0x3  }
0x33: {  	p0 =	seq.s32 s10, $0x1;
	s10 =	sld [smem:$0x3FB5];
	_ =	sdelay $0x3  }
0x34: {  	[smem:$0x3FB5] =	sst s10  }
0x35: {  	s10 =	sld [smem:$0x3FB4];
	_ =	sdelay $0x3  }
0x36: {  	p1 =	seq.s32 s10, $0x1;
	s10 =	sld [smem:$0x3FB5];
	_ =	sdelay $0x3  }
0x37: {  	[smem:$0x3FB5] =	sst s10  }
0x38: {  	s10 =	sld [smem:$0x3FB6]  }
0x39: {  	_ = 	snop;
	(pc) =	sbr.ind lr, $3  }
0x3a: {  	_ = 	snop  }
0x3b: {  	_ = 	snop  }
0x3c: {  	p2 =	seq.s32 s10, $0x1;
	s10 =	sld [smem:$0x3FB5]  }
0x3d: {  	_ =	shalt  }
0x3e: {  	_ =	shalt  }
0x3f: {  	_ =	shalt  }
0x40: {  	_ =	shalt  }
0x41: {  	_ =	shalt  }
0x42: {  	_ =	shalt  }
0x43: {  	_ =	shalt  }
0x44: {  	_ =	shalt  }
0x45: {  	_ =	shalt  }
0x46: {  	_ =	shalt  }
0x47: {  	_ =	shalt  }
0x48: {  	_ =	shalt  }
0x49: {  	_ =	shalt  }
0x4a: {  	_ =	shalt  }
0x4b: {  	_ =	shalt  }
0x4c: {  	_ =	shalt  }
0x4d: {  	_ =	shalt  }
0x4e: {  	_ =	shalt  }
0x4f: {  	_ =	shalt  }
0x50: {  	_ =	shalt  }
0x51: {  	_ =	shalt  }
0x52: {  	_ =	shalt  }
0x53: {  	_ =	shalt  }
0x54: {  	_ =	shalt  }
0x55: {  	_ =	shalt  }
0x56: {  	_ =	shalt  }
0x57: {  	_ =	shalt  }
0x58: {  	_ =	shalt  }
0x59: {  	_ =	shalt  }
0x5a: {  	_ =	shalt  }
0x5b: {  	_ =	shalt  }
0x5c: {  	_ =	shalt  }
0x5d: {  	_ =	shalt  }
0x5e: {  	_ =	shalt  }
0x5f: {  	_ =	shalt  }
0x60: {  	_ =	shalt  }
0x61: {  	_ =	shalt  }
0x62: {  	_ =	shalt  }
0x63: {  	_ =	shalt  }
0x64: {  	_ =	shalt  }
0x65: {  	_ =	shalt  }
0x66: {  	_ =	shalt  }
0x67: {  	_ =	shalt  }
0x68: {  	_ =	shalt  }
0x69: {  	_ =	shalt  }
0x6a: {  	_ =	shalt  }
0x6b: {  	_ =	shalt  }
0x6c: {  	_ =	shalt  }
0x6d: {  	_ =	shalt  }
0x6e: {  	_ =	shalt  }
0x6f: {  	_ =	shalt  }
0x70: {  	_ =	shalt  }
0x71: {  	_ =	shalt  }
0x72: {  	_ =	shalt  }
0x73: {  	_ =	shalt  }
0x74: {  	_ =	shalt  }
0x75: {  	_ =	shalt  }
0x76: {  	_ =	shalt  }
0x77: {  	_ =	shalt  }
0x78: {  	_ =	shalt  }
0x79: {  	_ =	shalt  }
0x7a: {  	_ =	shalt  }
0x7b: {  	_ =	shalt  }
0x7c: {  	_ =	shalt  }
0x7d: {  	_ =	shalt  }
0x7e: {  	_ =	shalt  }
0x7f: {  	_ =	shalt  }
0x80: {  	_ =	shalt  }
0x81: {  	_ =	shalt  }
0x82: {  	_ =	shalt  }
0x83: {  	_ =	shalt  }
0x84: {  	_ =	shalt  }
0x85: {  	_ =	shalt  }
0x86: {  	_ =	shalt  }
0x87: {  	_ =	shalt  }
.Lfunc_end0:
.L_simem_size_0:
called_computation.1_lowered:
.L_overlay_start_0:
0x88: {  	s2 =	sld [smem:$0x3FD9]  }
0x89: {  	s3 =	sld [smem:$0x3FFE];
	_ =	sdelay $0x1  }
0x8a: {  	s1 =	srdreg.scid  }
0x8b: {  	s0 =	sand.u32 $0x1, s1  }
0x8c: {  	s14 =	sshll.u32 s0, $0xA;
	s2 =	sadd.s32 s3, s2  }
0x8d: {  	s2 =	sadd.s32 s2, s14  }
0x8e: {  	[smem:$0x3FC1] =	sst s2  }
0x8f: {  	_ = 	snop  }
0x90: {  	s2 =	sld [smem:$0x3FD0];
	_ =	sdelay $0x2  }
0x91: {  	s4 =	simm.s32 $0xA;
	s5 =	simm.s32 $0x10;
	s15 =	sld [smem:$0x3FC3]  }
0x92: {  	[smem:s5], [sflag:s4] =	dma.local [hbm:s2], $0x1  }
0x93: {  	_ =	swait.eq [sflag:s4], $0x1  }
0x94: {  	[sflag:s4] =	ssyncset.done $0x0  }
0x95: {  	[sflag:s4] =	ssyncadd.s32 $0xFFFFFFFF  }
0x96: {  	s16 =	sld [smem:$0x15];
	(tm) =	ssettm $0x1  }
0x97: {  	s17 =	sld [smem:$0x3FFB];
	_ =	sdelay $0x3  }
0x98: {  	_ =	strace s17  }
0x99: {  	s4 =	sld [smem:$0x3FFC];
	_ =	sdelay $0x3  }
0x9a: {  	_ =	strace s4  }
0x9b: {  	s4 =	sld [smem:$0x3FFD];
	_ =	sdelay $0x3  }
0x9c: {  	_ =	strace s4  }
0x9d: {  	_ =	strace $0x8FFFFFFF  }
0x9e: {  	s18 =	sld [smem:$0x3FDB];
	_ =	sdelay $0x1  }
0x9f: {  	s19 =	simm.s32 $_scs_section_size  }
0xa0: {  	s6 =	simm.s32 $_size__tile_overlayer_lowered;
	s7 =	simm.s32 $_tile_overlayer_lowered  }
0xa1: {  	s22 =	simm.s32 $0x1BFF;
	s21 =	sshll.u32 s7, $0x1;
	s4 =	sadd.s32 s19, s18  }
0xa2: {  	s8 =	simm.s32 $0x0;
	s20 =	sshll.u32 s6, $0x1;
	s6 =	sadd.s32 s21, s4  }
0xa3: {  	[timem:s8], [sflag:s22] =	dma.local [hbm:s6], s20  }
0xa4: {  	_ =	swait.ge [sflag:s22], s20  }
0xa5: {  	s5 =	ssub.s32 $0x0, s20;
	[sflag:s22] =	ssyncset.done $0x0  }
0xa6: {  	[sflag:s22] =	ssyncadd.s32 s5;
	_ =	sdelay $0x1  }
0xa7: {  	s23 =	simm.s32 $0x1B8B  }
0xa8: {  	_ =	swait.ge [sflag:s23], $0x1  }
0xa9: {  	[sflag:s23] =	ssyncset.done $0x0  }
0xaa: {  	s25 =	simm.s32 $0x1B8E;
	s24 =	sld [smem:$0x3FFE];
	[sflag:s23] =	ssyncadd.s32 $0xFFFFFFFF  }
0xab: {  	s26 =	simm.s32 $execute0_lowered;
	[smem:$0x3FD2] =	sst s25  }
0xac: {  	s6 =	sshll.u32 s26, $0x1;
	_ =	strace $0x80000049;
	[dreg:$0x1] =	wrdreg $0xFFFFFFFF  }
0xad: {  	s28 =	simm.s32 $_size_execute0_lowered;
	s4 =	sadd.s32 s4, s6;
	[dreg:$0x0] =	wrdreg $0x0  }
0xae: {  	s6 =	sshll.u32 s28, $0x1;
	[dreg:$0x2] =	wrdreg s4  }
0xaf: {  	[dreg:$0x3] =	wrdreg s6  }
0xb0: {  	[dreg:$0x4] =	wrdreg $0xC0  }
0xb1: {  	_ =	task [dreg:s8], $0x5FFFF  }
0xb2: {  	[dreg:$0x1] =	wrdreg $0xFFFFFFFF  }
0xb3: {  	[dreg:$0x0] =	wrdreg $0x60  }
0xb4: {  	[dreg:$0x2] =	wrdreg s15  }
0xb5: {  	[dreg:$0x3] =	wrdreg s24  }
0xb6: {  	[dreg:$0x4] =	wrdreg s16  }
0xb7: {  	[dreg:$0x5] =	wrdreg $0x9  }
0xb8: {  	_ =	task.clear_ibuf [dreg:s8], $0x6FFFF;
	_ =	strace $0x90000049  }
0xb9: {  	s29 =	simm.s32 $0x9;
	_ =	strace $0x8000004B  }
0xba: {  	_ =	swait.ge [sflag:s29], $0x1  }
0xbb: {  	[sflag:s29] =	ssyncadd.s32 $0xFFFFFFFF  }
0xbc: {  	_ =	strace $0x9000004B  }
0xbd: {  	_ =	sfence  }
0xbe: {  	s30 =	sld [smem:$0x0];
	_ =	sdelay $0x2  }
0xbf: {  	s31 =	sshll.u32 s1, $0xD;
	s1 =	sshrl.u32 s1, $0x2  }
0xc0: {  	s3 =	sand.u32 $0x4000, s31;
	s1 =	sadd.s32 s1, s30  }
0xc1: {  	s0 =	sor.u32 s3, s0;
	s1 =	sshll.u32 s1, $0x11  }
0xc2: {  	s0 =	sor.u32 s1, s0  }
0xc3: {  	s0 =	sadd.s32 $0x8F2B, s0  }
0xc4: {  	[sflag:s0] =	ssyncadd.remote.s32 $0x1  }
0xc5: {  	_ =	sfence.sel $0xFFFF  }
0xc6: {  	[dreg:$0x0] =	wrdreg $0xFFFFFFFF;
	(pc) =	sbr.abs _section_cstart, $3  }
0xc7: {  	[dreg:$0x1] =	wrdreg $0xFFFFFFFF  }
0xc8: {  	_ =	task.clear_ibuf [dreg:s8], $0x2FFFF;
	_ =	strace $0x9FFFFFFF  }
0xc9: {  	(tm) =	ssettm $0x7FFFFFFF  }
tec
execute0_lowered:
.L_overlay_start_1:
0x0: {  	(tag) =	ssettag $0x1  }
0x1: {  	s2 =	rddreg [dreg:$0x0]  }
0x2: {  	s1 =	srdreg.scid;
	s5 =	rddreg [dreg:$0x1]  }
0x3: {  	s0 =	stileid.u32;
	s3 =	rddreg [dreg:$0x2]  }
0x4: {  	s9 =	simm.s32 $0x1;
	s10 =	simm.s32 $0x3;
	s1 =	sshll.u32 s1, $0x7  }
0x5: {  	s13 =	simm.s32 $0x0;
	s4 =	sshll.u32 s0, $0x8;
	s6 =	sand.u32 $0x80, s1  }
0x6: {  	s12 =	simm.s32 $0x0;
	s5 =	sadd.s32 $0x3200, s5;
	s4 =	sor.u32 s4, s6  }
0x7: {  	s1 =	rddreg [dreg:$0x3];
	_ =	strace $0x8000004A;
	s8 =	ssub.s32 $0x2000, s4  }
.Ltmp0:
0x8: {  	s6 =	simm.s32 $0x1;
	s7 =	sand.u32 $0xF80, s8;
	(pc) =	sbr.rel .LBB2_1-.Ltmp0, $4  }
0x9: {  	[sflag:s6] =	ssyncpa.u1 $0x0;
	s11 =	smov.u32 s4;
	p0 =	sne.s32 s7, $0x0  }
0xa: {  	s8 =	sshrl.u32 s8, $0xC;
	s7 =	simm.s32 $0x2;
	s9 =	simm.s32 @!p0 $0x0  }
0xb: {  	[sflag:s7] =	ssyncpa.u1 $0x0;
	p0 =	por $0x0, $0x0;
	s8 =	sadd.s32 s9, s8  }
0xc: {  	vm0 =	vmmov $0xffff;
	[sflag:s10] =	ssyncpa.u1 $0x0;
	s10 =	simm.s32 $0x0;
	s9 =	sadd.s32 $0x1, s8  }
.LBB2_4:
0xd: {  	v2 =	vnsel vm1, $0x0, v2  }
0xe: {  	vm1 =	vgt.s32 v0, $0x0;
	v2 =	vmin.u32 v2, $0x1869F  }
0xf: {  	v0 =	vnsel vm1, $0x0, v0  }
0x10: {  	v0 =	vmin.u32 v0, $0x1869F  }
0x11: {  	[tilespmem:s15], [sflag:$0x1] =	stream.indirect_vreg.gather [hbm4b:s2+s10], $0x1, v1, vm0, $0x4038;
	[tilespmem:$0x200] =	vst v63  }
0x12: {  	(ifvalue) =	ssetifvalue $0x7FFFFFFF  }
0x13: {  	[tilespmem:s16], [sflag:$0x1] =	stream.indirect_vreg.gather [hbm4b:s2+s10], $0x1, v2, vm0, $0x4038;
	[tilespmem:$0x200] =	vst v63  }
0x14: {  	s29 =	sadd.s32 $0x10, s16;
	(ifvalue) =	ssetifvalue $0x7FFFFFFF  }
0x15: {  	[tilespmem:s29], [sflag:$0x1] =	stream.indirect_vreg.gather [hbm4b:s2+s10], $0x1, v0, vm0, $0x4038;
	[tilespmem:$0x200] =	vst v63  }
0x16: {  	_ =	swait.ge [sflag:s6], $0x80  }
0x17: {  	s30 =	sshrl.u32 s13, $0x3;
	[sflag:s6] =	ssyncset.done $0x0  }
0x18: {  	s31 =	sand.u32 $0x7, s13;
	s15 =	sadd.s32 s3, s30;
	[sflag:s6] =	ssyncadd.s32 $0xFFFFFF80  }
0x19: {  	[hbm4b:s15+s31] =	stream.linear.scatter [tilespmem:s14], [sflag:$0x3], $0x80, $0x38;
	[tilespmem:$0x200] =	vst v63  }
.LBB2_5:
0x1a: {  	s15 =	sadd.s32 $0x1000, s11  }
0x1b: {  	p2 =	sgt.s32 s15, $0x1FFF  }
0x1c: {  	s15 =	smov.u32 @p2 s4;
	p2 =	sne.s32 s12, s9  }
.Ltmp1:
0x1d: {  	p1 =	slt.u32 s12, $0x2;
	(pc) =	sbr.rel @!p2 .LBB2_6-.Ltmp1, $4  }
0x1e: {  	s14 =	simm.s32 @!p1 $0x3  }
0x1f: {  	s16 =	sadd.s32 $0x1, s12;
	_ =	swait.ge @!p1 [sflag:s14], $0x80  }
0x20: {  	s13 =	smov.u32 s11;
	p0 =	por !p0, !p0;
	[sflag:s14] =	ssyncset.done @!p1 $0x0  }
0x21: {  	s12 =	smov.u32 s16;
	s11 =	smov.u32 s15;
	[sflag:s14] =	ssyncadd.s32 @!p1 $0xFFFFFF80  }
.LBB2_1:
0x22: {  	p1 =	sge.u32 s12, s8  }
0x23: {  	s14 =	sxor.u32 @!p1 $0xFFFFFFFF, s12  }
0x24: {  	s31 =	sadd.s32 $0xFFFFFFFF, s12;
	s15 =	sshrl.u32 @!p1 s11, $0x3;
	s14 =	sshll.u32 @!p1 s14, $0x7  }
0x25: {  	s16 =	sand.u32 @!p1 $0x7, s11;
	s15 =	sadd.s32 @!p1 s5, s15;
	s14 =	sand.u32 @!p1 $0x80, s14  }
0x26: {  	[tilespmem:s14], [sflag:$0x2] =	stream.linear.gather @!p1 [hbm4b:s15+s16], $0x80, $0x38;
	[tilespmem:$0x200] =	vst v63  }
0x27: {  	p1 =	sge.u32 s31, s8  }
.Ltmp2:
0x28: {  	_ = 	snop;
	(pc) =	sbr.rel @p1 .LBB2_5-.Ltmp2, $1  }
0x29: {  	_ =	sdelay $0x3  }
0x2a: {  	s14 =	simm.s32 $0x1  }
0x2b: {  	_ =	swait.ge [sflag:s7], $0x80;
	s14 =	simm.s32 @!p0 $0x0  }
0x2c: {  	[sflag:s7] =	ssyncset.done $0x0;
	s14 =	sshll.u32 s14, $0x7  }
0x2d: {  	[sflag:s7] =	ssyncadd.s32 $0xFFFFFF80;
	(ifvalue) =	ssetifvalue $0x7FFFFFFF;
	v0 =	vld.msk [tilespmem:s14+$0x0 ss:$0x1], $0xffff;
	_ =	sdelay $0x4  }
0x2e: {  	s15 =	sadd.s32 $0x10, s14;
	vm1 =	vgt.s32 v0, $0x0  }
0x2f: {  	v2 =	vld.msk [tilespmem:s15+$0x0 ss:$0x1], $0xffff;
	v1 =	vnsel vm1, $0x0, v0  }
0x30: {  	v1 =	vmin.u32 v1, $0x1869F;
	_ =	sdelay $0x1  }
0x31: {  	s16 =	sshll.u32 s12, $0x7;
	s18 =	simm.s32 $0x20  }
0x32: {  	s16 =	sand.u32 $0x80, s16;
	s17 =	sadd.s32 $0x10, s15;
	s15 =	sor.u32 $0x100, s14  }
0x33: {  	s14 =	sor.u32 $0x100, s16;
	s16 =	sadd.s32 $0x10, s15;
	v0 =	vld.msk [tilespmem:s17+$0x0 ss:$0x1], $0xffff;
	vm1 =	vgt.s32 v2, $0x0;
	(ifvalue) =	ssetifvalue $0x7FFFFFFF  }
.LBB2_3:
0x34: {  	[tilespmem:s15], [sflag:$0x1] =	stream.indirect_vreg.gather [hbm4b:s2+s10], $0x1, v1, vm0, $0x4038;
	[tilespmem:$0x200] =	vst v63  }
0x35: {  	s18 =	sadd.s32 $0x10, s18  }
0x36: {  	v2 =	vnsel vm1, $0x0, v2;
	p1 =	slt.u32 s18, $0x70  }
.Ltmp3:
0x37: {  	s15 =	smov.u32 s16;
	v1 =	vmin.u32 v2, $0x1869F;
	(pc) =	sbr.rel @p1 .LBB2_3-.Ltmp3, $3  }
0x38: {  	_ =	sdelay $0x1  }
0x39: {  	s17 =	sadd.s32 $0x10, s17  }
0x3a: {  	vm1 =	vgt.s32 v0, $0x0;
	s16 =	sadd.s32 $0x10, s16;
	v2 =	vmov v0;
	(ifvalue) =	ssetifvalue $0x7FFFFFFF;
	v0 =	vld.msk [tilespmem:s17+$0x0 ss:$0x1], $0xffff  }
.Ltmp4:
0x3b: {  	_ = 	snop;
	(pc) =	sbr.rel .LBB2_4-.Ltmp4, $1  }
0x3c: {  	_ =	sdelay $0x3  }
.LBB2_6:
0x3d: {  	_ =	sfence.sel $0x180000  }
0x3e: {  	s2 =	simm.s32 $0x2;
	[bflag:$0x0] =	sbarrier.arrive $0xFFFF  }
0x3f: {  	s30 =	simm.s32 $0x3;
	[sflag:s2] =	ssyncpa.u1 $0x1  }
0x40: {  	s31 =	simm.s32 $0x1;
	[sflag:s30] =	ssyncpa.u1 $0x1  }
0x41: {  	[sflag:s31] =	ssyncpa.u1 $0x1  }
0x42: {  	p0 =	sne.s32 s0, $0x0;
	_ =	strace $0x9000004A  }
0x43: {  	s0 =	sadd.s32 @!p0 $0x100000, s1;
	[bflag:$0x2] =	sbarrier.arrive $0xFFFF  }
0x44: {  	[sflag:s0] =	ssyncadd.tile.s32 @!p0 $0x1;
	_ =	shalt  }
.Lfunc_end2:
_tile_overlayer_lowered:
.L_overlay_start_2:
0x45: {  	(tag) =	ssettag $0x2  }
0x46: {  	s0 =	rddreg [dreg:$0x0];
	s2 =	stileid.u32  }
0x47: {  	s1 =	rddreg [dreg:$0x1];
	p0 =	sne.s32 s2, $0x0  }
0x48: {  	s3 =	rddreg [dreg:$0x2];
	[bflag:$0x3] =	sbarrier.arrive $0xFFFF;
	s2 =	simm.s32 @!p0 $0x1C01  }
0x49: {  	[timem:s3], [sflag:s2] =	dma.local @!p0 [hbm:s0], s1  }
0x4a: {  	s0 =	simm.s32 @!p0 $0x1  }
0x4b: {  	_ =	swait.ge @!p0 [sflag:s0], s1  }
0x4c: {  	s1 =	ssub.s32 @!p0 $0x0, s1;
	[sflag:s0] =	ssyncset.done @!p0 $0x0  }
0x4d: {  	[sflag:s0] =	ssyncadd.s32 @!p0 s1  }
0x4e: {  	[bflag:$0x3] =	sbarrier.arrive $0xFFFF  }
0x4f: {  	_ =	shalt  }

// kernel: gather_offload_async_start
scs
__scs_entry_jumppad:
0x0: {  	(pc) =	sbr.rel $0x88, $3  }
0x1: {  	(tag) =	ssettag $0x0;
	lr =	simm.s32 $0x1  }
0x2: {  	[smem:$0x3F9A] =	sst lr;
	_ =	strace $0xD0000000  }
0x3: {  	_ = 	snop  }
0x4: {  	_ = 	snop  }
0x5: {  	_ = 	snop  }
0x6: {  	_ = 	snop  }
0x7: {  	_ = 	snop  }
__scs_overlays_trampoline_lowered:
0x8: {  	[smem:$0x3FA9] =	sst s0  }
0x9: {  	[smem:$0x3FAA] =	sst s1  }
0xa: {  	[smem:$0x3FAB] =	sst s2  }
0xb: {  	[smem:$0x3FAC] =	sst s3  }
0xc: {  	[smem:$0x3FAD] =	sst s4  }
0xd: {  	[smem:$0x3FAE] =	sst s5  }
0xe: {  	[smem:$0x3FAF] =	sst s6  }
0xf: {  	[smem:$0x3FB0] =	sst s7  }
0x10: {  	[smem:$0x3FB1] =	sst s8  }
0x11: {  	[smem:$0x3FB2] =	sst s9;
	s0 =	simm.s32 @!p0 $0x0  }
0x12: {  	s1 =	sld [smem:$0x3F98];
	s0 =	simm.s32 @p0 $0x1  }
0x13: {  	[smem:$0x3FB3] =	sst s0;
	s0 =	simm.s32 @!p1 $0x0  }
0x14: {  	s2 =	sld [smem:$0x3F97];
	s0 =	simm.s32 @p1 $0x1  }
0x15: {  	[smem:$0x3FB4] =	sst s0;
	s0 =	simm.s32 @!p2 $0x0  }
0x16: {  	s3 =	sld [smem:$0x3FDB];
	s0 =	simm.s32 @p2 $0x1  }
0x17: {  	s4 =	simm.s32 $0x1BF5;
	[smem:$0x3FB6] =	sst s0  }
0x18: {  	s0 =	sld [smem:$0x3F99];
	_ =	swait.ge [sflag:s4], $0x0  }
0x19: {  	s7 =	sld [smem:$0x3F9A]  }
0x1a: {  	s8 =	sadd.s32 $0xFFFFE003, lr  }
0x1b: {  	s9 =	sadd.s32 $0xFFFFFEF7, lr;
	s5 =	simm.s32 $0xFFFFFFFF;
	p2 =	slt.u32 s8, $0xFFFFF086  }
0x1c: {  	p1 =	slt.u32 s9, $0xF7A;
	s5 =	simm.s32 @!p2 $0x0  }
0x1d: {  	s5 =	simm.s32 @p1 $0x1;
	p0 =	seq.s32 s7, s2  }
0x1e: {  	s7 =	smul.u32 @!p0 $0xF7A, s2;
	p2 =	seq.s32 @!p0 s5, $0x0  }
0x1f: {  	s9 =	smul.u32 $0xF7A, s1;
	s8 =	simm.s32 @!p0 $0x1BF5;
	p2 =	por !p2, p0  }
0x20: {  	[sflag:s8] =	ssyncset.s32 @!p0 $0xFFFFF086;
	s6 =	sadd.s32 @!p0 s3, s7;
	s7 =	simm.s32 @!p0 $0x108  }
0x21: {  	s3 =	sadd.s32 s3, s9;
	s6 =	sadd.s32 @!p0 $0x88, s6;
	s7 =	simm.s32 @p2 $0x1082  }
0x22: {  	[simem:s7], [sflag:s8] =	dma.local @!p0 [hbm:s6], $0xF7A  }
0x23: {  	s9 =	sor.u32 $0xD0000000, s2;
	s6 =	simm.s32 $0x108;
	_ =	swait.ge @!p0 [sflag:s8], $0x0  }
0x24: {  	s3 =	sadd.s32 $0x88, s3;
	s6 =	simm.s32 @!p1 $0x1082;
	[sflag:s4] =	ssyncset.s32 $0xFFFFF086  }
0x25: {  	[simem:s6], [sflag:s4] =	dma.local [hbm:s3], $0xF7A  }
0x26: {  	[smem:$0x3F9A] =	sst s1;
	(tag) =	ssettag s2;
	_ =	strace s9  }
0x27: {  	s1 =	sld [smem:$0x3FAA]  }
0x28: {  	s2 =	sld [smem:$0x3FAB]  }
0x29: {  	s4 =	sld [smem:$0x3FAD]  }
0x2a: {  	p0 =	seq.s32 s5, $0x0;
	s5 =	sld [smem:$0x3FAE]  }
0x2b: {  	s6 =	sld [smem:$0x3FAF]  }
0x2c: {  	s7 =	sld [smem:$0x3FB0]  }
0x2d: {  	s3 =	simm.s32 $0x108;
	s8 =	sld [smem:$0x3FB1]  }
0x2e: {  	s3 =	simm.s32 @!p0 $0x1082;
	s9 =	sld [smem:$0x3FB2]  }
0x2f: {  	lr =	sadd.s32 s0, s3;
	s0 =	sld [smem:$0x3FA9]  }
0x30: {  	s3 =	sld [smem:$0x3FAC]  }
0x31: {  	[smem:$0x3FB5] =	sst s10  }
0x32: {  	s10 =	sld [smem:$0x3FB3];
	_ =	sdelay $0x3  }
0x33: {  	p0 =	seq.s32 s10, $0x1;
	s10 =	sld [smem:$0x3FB5];
	_ =	sdelay $0x3  }
0x34: {  	[smem:$0x3FB5] =	sst s10  }
0x35: {  	s10 =	sld [smem:$0x3FB4];
	_ =	sdelay $0x3  }
0x36: {  	p1 =	seq.s32 s10, $0x1;
	s10 =	sld [smem:$0x3FB5];
	_ =	sdelay $0x3  }
0x37: {  	[smem:$0x3FB5] =	sst s10  }
0x38: {  	s10 =	sld [smem:$0x3FB6]  }
0x39: {  	_ = 	snop;
	(pc) =	sbr.ind lr, $3  }
0x3a: {  	_ = 	snop  }
0x3b: {  	_ = 	snop  }
0x3c: {  	p2 =	seq.s32 s10, $0x1;
	s10 =	sld [smem:$0x3FB5]  }
0x3d: {  	_ =	shalt  }
0x3e: {  	_ =	shalt  }
0x3f: {  	_ =	shalt  }
0x40: {  	_ =	shalt  }
0x41: {  	_ =	shalt  }
0x42: {  	_ =	shalt  }
0x43: {  	_ =	shalt  }
0x44: {  	_ =	shalt  }
0x45: {  	_ =	shalt  }
0x46: {  	_ =	shalt  }
0x47: {  	_ =	shalt  }
0x48: {  	_ =	shalt  }
0x49: {  	_ =	shalt  }
0x4a: {  	_ =	shalt  }
0x4b: {  	_ =	shalt  }
0x4c: {  	_ =	shalt  }
0x4d: {  	_ =	shalt  }
0x4e: {  	_ =	shalt  }
0x4f: {  	_ =	shalt  }
0x50: {  	_ =	shalt  }
0x51: {  	_ =	shalt  }
0x52: {  	_ =	shalt  }
0x53: {  	_ =	shalt  }
0x54: {  	_ =	shalt  }
0x55: {  	_ =	shalt  }
0x56: {  	_ =	shalt  }
0x57: {  	_ =	shalt  }
0x58: {  	_ =	shalt  }
0x59: {  	_ =	shalt  }
0x5a: {  	_ =	shalt  }
0x5b: {  	_ =	shalt  }
0x5c: {  	_ =	shalt  }
0x5d: {  	_ =	shalt  }
0x5e: {  	_ =	shalt  }
0x5f: {  	_ =	shalt  }
0x60: {  	_ =	shalt  }
0x61: {  	_ =	shalt  }
0x62: {  	_ =	shalt  }
0x63: {  	_ =	shalt  }
0x64: {  	_ =	shalt  }
0x65: {  	_ =	shalt  }
0x66: {  	_ =	shalt  }
0x67: {  	_ =	shalt  }
0x68: {  	_ =	shalt  }
0x69: {  	_ =	shalt  }
0x6a: {  	_ =	shalt  }
0x6b: {  	_ =	shalt  }
0x6c: {  	_ =	shalt  }
0x6d: {  	_ =	shalt  }
0x6e: {  	_ =	shalt  }
0x6f: {  	_ =	shalt  }
0x70: {  	_ =	shalt  }
0x71: {  	_ =	shalt  }
0x72: {  	_ =	shalt  }
0x73: {  	_ =	shalt  }
0x74: {  	_ =	shalt  }
0x75: {  	_ =	shalt  }
0x76: {  	_ =	shalt  }
0x77: {  	_ =	shalt  }
0x78: {  	_ =	shalt  }
0x79: {  	_ =	shalt  }
0x7a: {  	_ =	shalt  }
0x7b: {  	_ =	shalt  }
0x7c: {  	_ =	shalt  }
0x7d: {  	_ =	shalt  }
0x7e: {  	_ =	shalt  }
0x7f: {  	_ =	shalt  }
0x80: {  	_ =	shalt  }
0x81: {  	_ =	shalt  }
0x82: {  	_ =	shalt  }
0x83: {  	_ =	shalt  }
0x84: {  	_ =	shalt  }
0x85: {  	_ =	shalt  }
0x86: {  	_ =	shalt  }
0x87: {  	_ =	shalt  }
.Lfunc_end0:
.L_simem_size_0:
called_computation_lowered:
.L_overlay_start_0:
0x88: {  	s2 =	sld [smem:$0x3FD9]  }
0x89: {  	s3 =	sld [smem:$0x3FFE];
	_ =	sdelay $0x1  }
0x8a: {  	s1 =	srdreg.scid  }
0x8b: {  	s0 =	sand.u32 $0x1, s1  }
0x8c: {  	s15 =	sshll.u32 s0, $0xA;
	s2 =	sadd.s32 s3, s2  }
0x8d: {  	s2 =	sadd.s32 s2, s15  }
0x8e: {  	[smem:$0x3FC1] =	sst s2  }
0x8f: {  	_ = 	snop  }
0x90: {  	s2 =	sld [smem:$0x3FD0];
	_ =	sdelay $0x2  }
0x91: {  	s4 =	simm.s32 $0xA;
	s5 =	simm.s32 $0x10;
	s16 =	sld [smem:$0x3FC5]  }
0x92: {  	[smem:s5], [sflag:s4] =	dma.local [hbm:s2], $0x1  }
0x93: {  	_ =	swait.eq [sflag:s4], $0x1  }
0x94: {  	[sflag:s4] =	ssyncset.done $0x0  }
0x95: {  	s17 =	sld [smem:$0x13];
	[sflag:s4] =	ssyncadd.s32 $0xFFFFFFFF  }
0x96: {  	s18 =	sld [smem:$0x15];
	(tm) =	ssettm $0x1  }
0x97: {  	s19 =	sld [smem:$0x3FFB];
	_ =	sdelay $0x3  }
0x98: {  	_ =	strace s19  }
0x99: {  	s5 =	sld [smem:$0x3FFC];
	_ =	sdelay $0x3  }
0x9a: {  	_ =	strace s5  }
0x9b: {  	s5 =	sld [smem:$0x3FFD];
	_ =	sdelay $0x3  }
0x9c: {  	_ =	strace s5  }
0x9d: {  	_ =	strace $0x8FFFFFFF  }
0x9e: {  	s20 =	sld [smem:$0x3FDB];
	_ =	sdelay $0x1  }
0x9f: {  	s6 =	simm.s32 $_scs_section_size  }
0xa0: {  	s7 =	simm.s32 $_size__tile_overlayer_lowered;
	s8 =	simm.s32 $_tile_overlayer_lowered  }
0xa1: {  	s23 =	simm.s32 $0x1BFF;
	s22 =	sshll.u32 s8, $0x1;
	s5 =	sadd.s32 s6, s20  }
0xa2: {  	s9 =	simm.s32 $0x0;
	s21 =	sshll.u32 s7, $0x1;
	s7 =	sadd.s32 s22, s5  }
0xa3: {  	[timem:s9], [sflag:s23] =	dma.local [hbm:s7], s21  }
0xa4: {  	_ =	swait.ge [sflag:s23], s21  }
0xa5: {  	s6 =	ssub.s32 $0x0, s21;
	[sflag:s23] =	ssyncset.done $0x0  }
0xa6: {  	[sflag:s23] =	ssyncadd.s32 s6;
	_ =	sdelay $0x1  }
0xa7: {  	s24 =	simm.s32 $0x1B8B  }
0xa8: {  	_ =	swait.ge [sflag:s24], $0x1  }
0xa9: {  	[sflag:s24] =	ssyncset.done $0x0  }
0xaa: {  	s25 =	simm.s32 $0x1B8E;
	[sflag:s24] =	ssyncadd.s32 $0xFFFFFFFF  }
0xab: {  	s26 =	simm.s32 $execute0_lowered;
	[smem:$0x3FD2] =	sst s25  }
0xac: {  	s6 =	sshll.u32 s26, $0x1;
	_ =	strace $0x80000046;
	[dreg:$0x1] =	wrdreg $0xFFFFFFFF  }
0xad: {  	s28 =	simm.s32 $_size_execute0_lowered;
	s5 =	sadd.s32 s5, s6;
	[dreg:$0x0] =	wrdreg $0x0  }
0xae: {  	s6 =	sshll.u32 s28, $0x1;
	[dreg:$0x2] =	wrdreg s5  }
0xaf: {  	[dreg:$0x3] =	wrdreg s6  }
0xb0: {  	[dreg:$0x4] =	wrdreg $0xC0  }
0xb1: {  	_ =	task [dreg:s9], $0x5FFFF  }
0xb2: {  	[dreg:$0x1] =	wrdreg $0xFFFFFFFF  }
0xb3: {  	[dreg:$0x0] =	wrdreg $0x60  }
0xb4: {  	[dreg:$0x2] =	wrdreg s16  }
0xb5: {  	[dreg:$0x3] =	wrdreg s18  }
0xb6: {  	[dreg:$0x4] =	wrdreg s17  }
0xb7: {  	[dreg:$0x5] =	wrdreg $0x9  }
0xb8: {  	_ =	task.clear_ibuf [dreg:s9], $0x6FFFF;
	_ =	strace $0x90000046  }
0xb9: {  	s29 =	simm.s32 $0x9;
	_ =	strace $0x80000048  }
0xba: {  	_ =	swait.ge [sflag:s29], $0x1  }
0xbb: {  	[sflag:s29] =	ssyncadd.s32 $0xFFFFFFFF  }
0xbc: {  	_ =	strace $0x90000048  }
0xbd: {  	_ =	sfence  }
0xbe: {  	s30 =	sld [smem:$0x0];
	_ =	sdelay $0x2  }
0xbf: {  	s31 =	sshll.u32 s1, $0xD;
	s1 =	sshrl.u32 s1, $0x2  }
0xc0: {  	s3 =	sand.u32 $0x4000, s31;
	s1 =	sadd.s32 s1, s30  }
0xc1: {  	s0 =	sor.u32 s3, s0;
	s1 =	sshll.u32 s1, $0x11  }
0xc2: {  	s0 =	sor.u32 s1, s0  }
0xc3: {  	s0 =	sadd.s32 $0x8F2B, s0  }
0xc4: {  	[sflag:s0] =	ssyncadd.remote.s32 $0x1  }
0xc5: {  	_ =	sfence.sel $0xFFFF  }
0xc6: {  	[dreg:$0x0] =	wrdreg $0xFFFFFFFF;
	(pc) =	sbr.abs _section_cstart, $3  }
0xc7: {  	[dreg:$0x1] =	wrdreg $0xFFFFFFFF  }
0xc8: {  	_ =	task.clear_ibuf [dreg:s9], $0x2FFFF;
	_ =	strace $0x9FFFFFFF  }
0xc9: {  	(tm) =	ssettm $0x7FFFFFFF  }
tec
execute0_lowered:
.L_overlay_start_1:
0x0: {  	(tag) =	ssettag $0x1  }
0x1: {  	s1 =	srdreg.scid;
	s2 =	rddreg [dreg:$0x0]  }
0x2: {  	s0 =	stileid.u32;
	s3 =	rddreg [dreg:$0x1]  }
0x3: {  	s4 =	rddreg [dreg:$0x2];
	s6 =	simm.s32 $0x1;
	s1 =	sshll.u32 s1, $0x7  }
0x4: {  	s9 =	simm.s32 $0x1;
	s5 =	sshll.u32 s0, $0x8;
	s1 =	sand.u32 $0x80, s1  }
0x5: {  	s10 =	simm.s32 $0x3;
	s13 =	simm.s32 $0x0;
	s5 =	sor.u32 s5, s1  }
0x6: {  	s12 =	simm.s32 $0x0;
	s1 =	rddreg [dreg:$0x3];
	s8 =	ssub.s32 $0x2000, s5  }
.Ltmp0:
0x7: {  	_ =	strace $0x80000047;
	s7 =	sand.u32 $0xF80, s8;
	(pc) =	sbr.rel .LBB2_1-.Ltmp0, $4  }
0x8: {  	[sflag:s6] =	ssyncpa.u1 $0x0;
	s11 =	smov.u32 s5;
	p0 =	sne.s32 s7, $0x0  }
0x9: {  	s8 =	sshrl.u32 s8, $0xC;
	s7 =	simm.s32 $0x2;
	s9 =	simm.s32 @!p0 $0x0  }
0xa: {  	[sflag:s7] =	ssyncpa.u1 $0x0;
	p0 =	por $0x0, $0x0;
	s8 =	sadd.s32 s9, s8  }
0xb: {  	vm0 =	vmmov $0xffff;
	[sflag:s10] =	ssyncpa.u1 $0x0;
	s10 =	simm.s32 $0x0;
	s9 =	sadd.s32 $0x1, s8  }
.LBB2_4:
0xc: {  	v2 =	vnsel vm1, $0x0, v2  }
0xd: {  	vm1 =	vgt.s32 v0, $0x0;
	v2 =	vmin.u32 v2, $0x1869F  }
0xe: {  	v0 =	vnsel vm1, $0x0, v0  }
0xf: {  	v0 =	vmin.u32 v0, $0x1869F  }
0x10: {  	[tilespmem:s15], [sflag:$0x1] =	stream.indirect_vreg.gather [hbm4b:s2+s10], $0x1, v1, vm0, $0x4038;
	[tilespmem:$0x200] =	vst v63  }
0x11: {  	(ifvalue) =	ssetifvalue $0x7FFFFFFF  }
0x12: {  	[tilespmem:s16], [sflag:$0x1] =	stream.indirect_vreg.gather [hbm4b:s2+s10], $0x1, v2, vm0, $0x4038;
	[tilespmem:$0x200] =	vst v63  }
0x13: {  	s29 =	sadd.s32 $0x10, s16;
	(ifvalue) =	ssetifvalue $0x7FFFFFFF  }
0x14: {  	[tilespmem:s29], [sflag:$0x1] =	stream.indirect_vreg.gather [hbm4b:s2+s10], $0x1, v0, vm0, $0x4038;
	[tilespmem:$0x200] =	vst v63  }
0x15: {  	_ =	swait.ge [sflag:s6], $0x80  }
0x16: {  	s30 =	sshrl.u32 s13, $0x3;
	[sflag:s6] =	ssyncset.done $0x0  }
0x17: {  	s31 =	sand.u32 $0x7, s13;
	s15 =	sadd.s32 s4, s30;
	[sflag:s6] =	ssyncadd.s32 $0xFFFFFF80  }
0x18: {  	[hbm4b:s15+s31] =	stream.linear.scatter [tilespmem:s14], [sflag:$0x3], $0x80, $0x38;
	[tilespmem:$0x200] =	vst v63  }
.LBB2_5:
0x19: {  	s15 =	sadd.s32 $0x1000, s11  }
0x1a: {  	p2 =	sgt.s32 s15, $0x1FFF  }
0x1b: {  	s15 =	smov.u32 @p2 s5;
	p2 =	sne.s32 s12, s9  }
.Ltmp1:
0x1c: {  	p1 =	slt.u32 s12, $0x2;
	(pc) =	sbr.rel @!p2 .LBB2_6-.Ltmp1, $4  }
0x1d: {  	s14 =	simm.s32 @!p1 $0x3  }
0x1e: {  	s16 =	sadd.s32 $0x1, s12;
	_ =	swait.ge @!p1 [sflag:s14], $0x80  }
0x1f: {  	s13 =	smov.u32 s11;
	p0 =	por !p0, !p0;
	[sflag:s14] =	ssyncset.done @!p1 $0x0  }
0x20: {  	s12 =	smov.u32 s16;
	s11 =	smov.u32 s15;
	[sflag:s14] =	ssyncadd.s32 @!p1 $0xFFFFFF80  }
.LBB2_1:
0x21: {  	p1 =	sge.u32 s12, s8  }
0x22: {  	s14 =	sxor.u32 @!p1 $0xFFFFFFFF, s12  }
0x23: {  	s31 =	sadd.s32 $0xFFFFFFFF, s12;
	s15 =	sshrl.u32 @!p1 s11, $0x3;
	s14 =	sshll.u32 @!p1 s14, $0x7  }
0x24: {  	s16 =	sand.u32 @!p1 $0x7, s11;
	s15 =	sadd.s32 @!p1 s3, s15;
	s14 =	sand.u32 @!p1 $0x80, s14  }
0x25: {  	[tilespmem:s14], [sflag:$0x2] =	stream.linear.gather @!p1 [hbm4b:s15+s16], $0x80, $0x38;
	[tilespmem:$0x200] =	vst v63  }
0x26: {  	p1 =	sge.u32 s31, s8  }
.Ltmp2:
0x27: {  	_ = 	snop;
	(pc) =	sbr.rel @p1 .LBB2_5-.Ltmp2, $1  }
0x28: {  	_ =	sdelay $0x3  }
0x29: {  	s14 =	simm.s32 $0x1  }
0x2a: {  	_ =	swait.ge [sflag:s7], $0x80;
	s14 =	simm.s32 @!p0 $0x0  }
0x2b: {  	[sflag:s7] =	ssyncset.done $0x0;
	s14 =	sshll.u32 s14, $0x7  }
0x2c: {  	[sflag:s7] =	ssyncadd.s32 $0xFFFFFF80;
	(ifvalue) =	ssetifvalue $0x7FFFFFFF;
	v0 =	vld.msk [tilespmem:s14+$0x0 ss:$0x1], $0xffff;
	_ =	sdelay $0x4  }
0x2d: {  	s15 =	sadd.s32 $0x10, s14;
	vm1 =	vgt.s32 v0, $0x0  }
0x2e: {  	v2 =	vld.msk [tilespmem:s15+$0x0 ss:$0x1], $0xffff;
	v1 =	vnsel vm1, $0x0, v0  }
0x2f: {  	v1 =	vmin.u32 v1, $0x1869F;
	_ =	sdelay $0x1  }
0x30: {  	s16 =	sshll.u32 s12, $0x7;
	s18 =	simm.s32 $0x20  }
0x31: {  	s16 =	sand.u32 $0x80, s16;
	s17 =	sadd.s32 $0x10, s15;
	s15 =	sor.u32 $0x100, s14  }
0x32: {  	s14 =	sor.u32 $0x100, s16;
	s16 =	sadd.s32 $0x10, s15;
	v0 =	vld.msk [tilespmem:s17+$0x0 ss:$0x1], $0xffff;
	vm1 =	vgt.s32 v2, $0x0;
	(ifvalue) =	ssetifvalue $0x7FFFFFFF  }
.LBB2_3:
0x33: {  	[tilespmem:s15], [sflag:$0x1] =	stream.indirect_vreg.gather [hbm4b:s2+s10], $0x1, v1, vm0, $0x4038;
	[tilespmem:$0x200] =	vst v63  }
0x34: {  	s18 =	sadd.s32 $0x10, s18  }
0x35: {  	v2 =	vnsel vm1, $0x0, v2;
	p1 =	slt.u32 s18, $0x70  }
.Ltmp3:
0x36: {  	s15 =	smov.u32 s16;
	v1 =	vmin.u32 v2, $0x1869F;
	(pc) =	sbr.rel @p1 .LBB2_3-.Ltmp3, $3  }
0x37: {  	_ =	sdelay $0x1  }
0x38: {  	s17 =	sadd.s32 $0x10, s17  }
0x39: {  	vm1 =	vgt.s32 v0, $0x0;
	s16 =	sadd.s32 $0x10, s16;
	v2 =	vmov v0;
	(ifvalue) =	ssetifvalue $0x7FFFFFFF;
	v0 =	vld.msk [tilespmem:s17+$0x0 ss:$0x1], $0xffff  }
.Ltmp4:
0x3a: {  	_ = 	snop;
	(pc) =	sbr.rel .LBB2_4-.Ltmp4, $1  }
0x3b: {  	_ =	sdelay $0x3  }
.LBB2_6:
0x3c: {  	_ =	sfence.sel $0x180000  }
0x3d: {  	s2 =	simm.s32 $0x2;
	[bflag:$0x0] =	sbarrier.arrive $0xFFFF  }
0x3e: {  	s30 =	simm.s32 $0x3;
	[sflag:s2] =	ssyncpa.u1 $0x1  }
0x3f: {  	s31 =	simm.s32 $0x1;
	[sflag:s30] =	ssyncpa.u1 $0x1  }
0x40: {  	[sflag:s31] =	ssyncpa.u1 $0x1  }
0x41: {  	p0 =	sne.s32 s0, $0x0;
	_ =	strace $0x90000047  }
0x42: {  	s0 =	sadd.s32 @!p0 $0x100000, s1;
	[bflag:$0x2] =	sbarrier.arrive $0xFFFF  }
0x43: {  	[sflag:s0] =	ssyncadd.tile.s32 @!p0 $0x1;
	_ =	shalt  }
.Lfunc_end2:
_tile_overlayer_lowered:
.L_overlay_start_2:
0x44: {  	(tag) =	ssettag $0x2  }
0x45: {  	s0 =	rddreg [dreg:$0x0];
	s2 =	stileid.u32  }
0x46: {  	s1 =	rddreg [dreg:$0x1];
	p0 =	sne.s32 s2, $0x0  }
0x47: {  	s3 =	rddreg [dreg:$0x2];
	[bflag:$0x3] =	sbarrier.arrive $0xFFFF;
	s2 =	simm.s32 @!p0 $0x1C01  }
0x48: {  	[timem:s3], [sflag:s2] =	dma.local @!p0 [hbm:s0], s1  }
0x49: {  	s0 =	simm.s32 @!p0 $0x1  }
0x4a: {  	_ =	swait.ge @!p0 [sflag:s0], s1  }
0x4b: {  	s1 =	ssub.s32 @!p0 $0x0, s1;
	[sflag:s0] =	ssyncset.done @!p0 $0x0  }
0x4c: {  	[sflag:s0] =	ssyncadd.s32 @!p0 s1  }
0x4d: {  	[bflag:$0x3] =	sbarrier.arrive $0xFFFF  }
0x4e: {  	_ =	shalt  }

</sc_bundles>
